<compile_context>
chip_gen: v7x
topology: tpu7x:2x2x1
jax: 0.10.2.dev20260603
libtpu: 0.0.44.dev20260713+nightly
codegen_flags: <defaults>
</compile_context>

<pallas_src>
import functools

import jax
import jax.numpy as jnp
from jax import lax
from jax.experimental import pallas as pl
from jax.experimental.pallas import tpu as pltpu
from jax.experimental.pallas import tpu_sc as plsc

_N = 10000
_E = 320000
_D = 128
_C = 121

_NC = 2
_NS = 16
_NW = _NC * _NS
_EW = _E // _NW
_K = 80
_NCHUNK = _EW // _K
_NP = 10240
_RPT = _NP // _NS

_mesh = plsc.VectorSubcoreMesh(core_axis_name="c", subcore_axis_name="s")


@functools.partial(
    pl.kernel,
    out_type=jax.ShapeDtypeStruct((_NC, _NS, _RPT, _D), jnp.float32),
    mesh=_mesh,
    scratch_types=[
        pltpu.VMEM((_NCHUNK, _K), jnp.int32),
        pltpu.VMEM((_NCHUNK, _K), jnp.int32),
        pltpu.VMEM((_K, _D), jnp.float32),
        pltpu.VMEM_SHARED((_NP, _D), jnp.float32),
    ],
)
def _prop_pass(g_hbm, src_hbm, dst_hbm, zeros_hbm, out_hbm, src_v, dst_v, rows_v, s_sh):
    c = lax.axis_index("c")
    s = lax.axis_index("s")
    wid = s * _NC + c
    rows = pl.ds(s * _RPT, _RPT)
    pltpu.sync_copy(zeros_hbm, s_sh.at[rows])
    pltpu.sync_copy(src_hbm.at[wid], src_v)
    pltpu.sync_copy(dst_hbm.at[wid], dst_v)
    plsc.subcore_barrier()

    def body(j, carry):
        pltpu.sync_copy(g_hbm.at[src_v.at[j]], rows_v)
        pltpu.sync_copy(rows_v, s_sh.at[dst_v.at[j]], add=True)
        return carry

    lax.fori_loop(0, _NCHUNK, body, 0)
    plsc.subcore_barrier()
    pltpu.sync_copy(s_sh.at[rows], out_hbm.at[c, s])


_BR = 2000
_GRID = _N // _BR


def _k0_body(x_ref, w_ref, d0_ref, d1_ref, g_ref, dis_ref):
    deg = d0_ref[...][:, :1] + d1_ref[...][:, :1] + 1.0
    dis = lax.rsqrt(deg)
    h = jnp.dot(x_ref[...], w_ref[...], preferred_element_type=jnp.float32)
    g_ref[...] = h * dis
    dis_ref[...] = jnp.broadcast_to(dis, dis_ref.shape)


_k0 = pl.pallas_call(
    _k0_body,
    grid=(_GRID,),
    in_specs=[
        pl.BlockSpec((_BR, _D), lambda i: (i, 0)),
        pl.BlockSpec((_D, _D), lambda i: (0, 0)),
        pl.BlockSpec((_BR, 16), lambda i: (i, 0)),
        pl.BlockSpec((_BR, 16), lambda i: (i, 0)),
    ],
    out_specs=[
        pl.BlockSpec((_BR, _D), lambda i: (i, 0)),
        pl.BlockSpec((_BR, 16), lambda i: (i, 0)),
    ],
    out_shape=[
        jax.ShapeDtypeStruct((_N, _D), jnp.float32),
        jax.ShapeDtypeStruct((_N, 16), jnp.float32),
    ],
)


def _kmid_body(s0_ref, s1_ref, g_ref, dis_ref, b_ref, w_ref, out_ref):
    dis = dis_ref[...][:, :1]
    y = dis * (s0_ref[...] + s1_ref[...] + g_ref[...]) + b_ref[...]
    y = jnp.maximum(y, 0.0)
    out_ref[...] = jnp.dot(y, w_ref[...], preferred_element_type=jnp.float32) * dis


_kmid = pl.pallas_call(
    _kmid_body,
    grid=(_GRID,),
    in_specs=[
        pl.BlockSpec((_BR, _D), lambda i: (i, 0)),
        pl.BlockSpec((_BR, _D), lambda i: (i, 0)),
        pl.BlockSpec((_BR, _D), lambda i: (i, 0)),
        pl.BlockSpec((_BR, 16), lambda i: (i, 0)),
        pl.BlockSpec((1, _D), lambda i: (0, 0)),
        pl.BlockSpec((_D, _D), lambda i: (0, 0)),
    ],
    out_specs=pl.BlockSpec((_BR, _D), lambda i: (i, 0)),
    out_shape=jax.ShapeDtypeStruct((_N, _D), jnp.float32),
)


def _khead_body(s0_ref, s1_ref, g_ref, dis_ref, b3_ref,
                w1_ref, c1_ref, w2_ref, c2_ref, w3_ref, c3_ref, out_ref):
    dis = dis_ref[...][:, :1]
    y = dis * (s0_ref[...] + s1_ref[...] + g_ref[...]) + b3_ref[...]
    y = jnp.maximum(y, 0.0)
    y = jnp.dot(y, w1_ref[...], preferred_element_type=jnp.float32) + c1_ref[...]
    y = jnp.maximum(y, 0.0)
    y = jnp.dot(y, w2_ref[...], preferred_element_type=jnp.float32) + c2_ref[...]
    y = jnp.maximum(y, 0.0)
    out_ref[...] = jnp.dot(y, w3_ref[...], preferred_element_type=jnp.float32) + c3_ref[...]


_khead = pl.pallas_call(
    _khead_body,
    grid=(_GRID,),
    in_specs=[
        pl.BlockSpec((_BR, _D), lambda i: (i, 0)),
        pl.BlockSpec((_BR, _D), lambda i: (i, 0)),
        pl.BlockSpec((_BR, _D), lambda i: (i, 0)),
        pl.BlockSpec((_BR, 16), lambda i: (i, 0)),
        pl.BlockSpec((1, _D), lambda i: (0, 0)),
        pl.BlockSpec((_D, _D), lambda i: (0, 0)),
        pl.BlockSpec((1, _D), lambda i: (0, 0)),
        pl.BlockSpec((_D, _D), lambda i: (0, 0)),
        pl.BlockSpec((1, _D), lambda i: (0, 0)),
        pl.BlockSpec((_D, _D), lambda i: (0, 0)),
        pl.BlockSpec((1, _D), lambda i: (0, 0)),
    ],
    out_specs=pl.BlockSpec((_BR, _D), lambda i: (i, 0)),
    out_shape=jax.ShapeDtypeStruct((_N, _D), jnp.float32),
)


def kernel(x, edge_index, TRAIN, W1, b1, W2, b2, W3, b3,
           fcW1, fcb1, fcW2, fcb2, fcW3, fcb3):
    del TRAIN
    src = edge_index[0].reshape(_NW, _NCHUNK, _K)
    dst = edge_index[1].reshape(_NW, _NCHUNK, _K)
    zerosD = jnp.zeros((_RPT, _D), jnp.float32)
    ones_table = jnp.ones((_N, _D), jnp.float32)

    deg = _prop_pass(ones_table, src, dst, zerosD).reshape(_NC, _NP, _D)
    deg = deg[:, :_N, :16]
    g1, dis16 = _k0(x, W1, deg[0], deg[1])

    def _prop(g):
        sp = _prop_pass(g, src, dst, zerosD).reshape(_NC, _NP, _D)
        return sp[0, :_N], sp[1, :_N]

    s0, s1 = _prop(g1)
    g2 = _kmid(s0, s1, g1, dis16, b1.reshape(1, _D), W2)
    s0, s1 = _prop(g2)
    g3 = _kmid(s0, s1, g2, dis16, b2.reshape(1, _D), W3)
    s0, s1 = _prop(g3)

    fcW3p = jnp.pad(fcW3, ((0, 0), (0, _D - _C)))
    fcb3p = jnp.pad(fcb3, (0, _D - _C)).reshape(1, _D)
    y = _khead(s0, s1, g3, dis16, b3.reshape(1, _D),
               fcW1, fcb1.reshape(1, _D), fcW2, fcb2.reshape(1, _D),
               fcW3p, fcb3p)
    return y[:, :_C]

# --- scband reference (transcript-rebuilt; emitter-appended) ---
"""Pipeline reference for scband-net-81552839016511 (READ-ONLY COPY).

The authoritative reference and input builder live on the scoring server;
editing this copy changes nothing except your own understanding.
"""

import jax, jax.numpy as jnp
import numpy as np

N = 10000
E = 320000
D = 128
H = 128
C = 121


def gcn_conv(x, edge_index, W, b):
    num_nodes = x.shape[0]
    src = edge_index[0]
    dst = edge_index[1]
    loop = jnp.arange(num_nodes, dtype=src.dtype)
    src = jnp.concatenate([src, loop])
    dst = jnp.concatenate([dst, loop])
    deg = jnp.zeros((num_nodes,), dtype=x.dtype).at[dst].add(1.0)
    deg_inv_sqrt = jnp.where(deg > 0, deg ** -0.5, 0.0)
    norm = deg_inv_sqrt[src] * deg_inv_sqrt[dst]
    h = x @ W
    msg = h[src] * norm[:, None]
    out = jnp.zeros((num_nodes, h.shape[1]), dtype=x.dtype).at[dst].add(msg)
    return out + b


def setup_inputs(seed: int = 0):
    key = jax.random.key(seed)
    ks = jax.random.split(key, 16)
    inp = {}
    inp["x"] = jax.random.normal(ks[0], (N, D), dtype=jnp.float32)
    inp["edge_index"] = jax.random.randint(ks[1], (2, E), 0, N, dtype=jnp.int32)
    inp["TRAIN"] = False
    inp["W1"] = jax.random.normal(ks[2], (D, H), dtype=jnp.float32) * (1.0 / np.sqrt(D))
    inp["b1"] = jnp.zeros((H,), dtype=jnp.float32)
    inp["W2"] = jax.random.normal(ks[3], (H, H), dtype=jnp.float32) * (1.0 / np.sqrt(H))
    inp["b2"] = jnp.zeros((H,), dtype=jnp.float32)
    inp["W3"] = jax.random.normal(ks[4], (H, H), dtype=jnp.float32) * (1.0 / np.sqrt(H))
    inp["b3"] = jnp.zeros((H,), dtype=jnp.float32)
    inp["fcW1"] = jax.random.normal(ks[5], (H, H), dtype=jnp.float32) * (1.0 / np.sqrt(H))
    inp["fcb1"] = jnp.zeros((H,), dtype=jnp.float32)
    inp["fcW2"] = jax.random.normal(ks[6], (H, H), dtype=jnp.float32) * (1.0 / np.sqrt(H))
    inp["fcb2"] = jnp.zeros((H,), dtype=jnp.float32)
    inp["fcW3"] = jax.random.normal(ks[7], (H, C), dtype=jnp.float32) * (1.0 / np.sqrt(H))
    inp["fcb3"] = jnp.zeros((C,), dtype=jnp.float32)
    return inp


def reference(x, edge_index, TRAIN, W1, b1, W2, b2, W3, b3, fcW1, fcb1, fcW2, fcb2, fcW3, fcb3):
    # Deterministic (TRAIN == False) path of the original forward.
    y = jax.nn.relu(gcn_conv(x, edge_index, W1, b1))
    y = jax.nn.relu(gcn_conv(y, edge_index, W2, b2))
    y = jax.nn.relu(gcn_conv(y, edge_index, W3, b3))
    y = jax.nn.relu(y @ fcW1 + fcb1)
    y = jax.nn.relu(y @ fcW2 + fcb2)
    y = y @ fcW3 + fcb3
    return y

if __name__ == "__main__":
    import jax
    _d = setup_inputs()
    print(jax.jit(kernel)(*tuple(_d.values())))

</pallas_src>

<mosaic_0001>
#map = affine_map<(d0, d1) -> (0, 0)>
#map1 = affine_map<(d0, d1) -> (0, 0, 0)>
#map2 = affine_map<(d0, d1) -> (0, 0, 0, 0)>
module attributes {stable_mosaic.version = 14 : i64} {
  func.func @_prop_pass(%arg0: i32, %arg1: i32, %arg2: memref<10000x128xf32, #tpu.memory_space<hbm>>, %arg3: memref<32x125x80xi32, #tpu.memory_space<hbm>>, %arg4: memref<32x125x80xi32, #tpu.memory_space<hbm>>, %arg5: memref<640x128xf32, #tpu.memory_space<hbm>>, %arg6: memref<2x16x640x128xf32, #tpu.memory_space<hbm>>, %arg7: memref<125x80xi32, #tpu.memory_space<vmem>>, %arg8: memref<125x80xi32, #tpu.memory_space<vmem>>, %arg9: memref<80x128xf32, #tpu.memory_space<vmem>>, %arg10: memref<10240x128xf32, #tpu.memory_space<vmem_shared>>) attributes {dimension_semantics = [#tpu.dimension_semantics<core_parallel>, #tpu.dimension_semantics<subcore_parallel>], iteration_bounds = array<i64: 2, 16>, scalar_prefetch = 0 : i64, scratch_operands = 4 : i64, tpu.core_type = #tpu.core_type<sc_vector_subcore>, window_params = [{transform_indices = #map}, {transform_indices = #map1}, {transform_indices = #map1}, {transform_indices = #map}, {transform_indices = #map2}]} {
    %mul3A = arith.constant 2 : i32
    %mul3A_0 = arith.muli %arg1, %mul3A : i32
    %add3A = arith.addi %mul3A_0, %arg0 : i32
    %mul3A_1 = arith.constant 640 : i32
    %mul3A_2 = arith.muli %arg1, %mul3A_1 : i32
    "tpu.region"() ({
      %run_scoped3A = tpu.sem_alloc : memref<!tpu.dma_semaphore, #tpu.memory_space<semaphore_mem>>
      %dma_start3A = arith.constant 0 : i32
      %dma_start3A_9 = tpu.memref_slice %arg10[%mul3A_2, %dma_start3A] : memref<10240x128xf32, #tpu.memory_space<vmem_shared>> -> memref<640x128xf32, #tpu.memory_space<vmem_shared>>
      tpu.enqueue_dma source(%arg5 : memref<640x128xf32, #tpu.memory_space<hbm>>) target(%dma_start3A_9 : memref<640x128xf32, #tpu.memory_space<vmem_shared>>) target_semaphore(%run_scoped3A : memref<!tpu.dma_semaphore, #tpu.memory_space<semaphore_mem>>)
      %dma_wait3A = arith.constant 0 : i32
      %dma_wait3A_10 = tpu.memref_slice %arg10[%mul3A_2, %dma_wait3A] : memref<10240x128xf32, #tpu.memory_space<vmem_shared>> -> memref<640x128xf32, #tpu.memory_space<vmem_shared>>
      tpu.wait_dma2 semaphore(%run_scoped3A : memref<!tpu.dma_semaphore, #tpu.memory_space<semaphore_mem>>) src(%arg5 : memref<640x128xf32, #tpu.memory_space<hbm>>) dst(%dma_wait3A_10 : memref<640x128xf32, #tpu.memory_space<vmem_shared>>)
      tpu.yield
    }) : () -> ()
    "tpu.region"() ({
      %run_scoped3A = tpu.sem_alloc : memref<!tpu.dma_semaphore, #tpu.memory_space<semaphore_mem>>
      %dma_start3A = arith.constant 0 : i32
      %dma_start3A_9 = arith.constant 0 : i32
      %dma_start3A_10 = tpu.memref_slice %arg3[%add3A, %dma_start3A, %dma_start3A_9] : memref<32x125x80xi32, #tpu.memory_space<hbm>> -> memref<1x125x80xi32, #tpu.memory_space<hbm>>
      %dma_start3A_11 = tpu.memref_squeeze %dma_start3A_10 : memref<1x125x80xi32, #tpu.memory_space<hbm>> -> memref<125x80xi32, #tpu.memory_space<hbm>>
      %dma_start3A_12 = arith.constant 0 : i32
      %dma_start3A_13 = arith.constant 0 : i32
      %dma_start3A_14 = tpu.memref_slice %arg3[%add3A, %dma_start3A_12, %dma_start3A_13] : memref<32x125x80xi32, #tpu.memory_space<hbm>> -> memref<1x125x80xi32, #tpu.memory_space<hbm>>
      %dma_start3A_15 = tpu.memref_squeeze %dma_start3A_14 : memref<1x125x80xi32, #tpu.memory_space<hbm>> -> memref<125x80xi32, #tpu.memory_space<hbm>>
      tpu.enqueue_dma source(%dma_start3A_15 : memref<125x80xi32, #tpu.memory_space<hbm>>) target(%arg7 : memref<125x80xi32, #tpu.memory_space<vmem>>) target_semaphore(%run_scoped3A : memref<!tpu.dma_semaphore, #tpu.memory_space<semaphore_mem>>)
      %dma_wait3A = arith.constant 0 : i32
      %dma_wait3A_16 = arith.constant 0 : i32
      %dma_wait3A_17 = tpu.memref_slice %arg3[%add3A, %dma_wait3A, %dma_wait3A_16] : memref<32x125x80xi32, #tpu.memory_space<hbm>> -> memref<1x125x80xi32, #tpu.memory_space<hbm>>
      %dma_wait3A_18 = tpu.memref_squeeze %dma_wait3A_17 : memref<1x125x80xi32, #tpu.memory_space<hbm>> -> memref<125x80xi32, #tpu.memory_space<hbm>>
      %dma_wait3A_19 = arith.constant 0 : i32
      %dma_wait3A_20 = arith.constant 0 : i32
      %dma_wait3A_21 = tpu.memref_slice %arg3[%add3A, %dma_wait3A_19, %dma_wait3A_20] : memref<32x125x80xi32, #tpu.memory_space<hbm>> -> memref<1x125x80xi32, #tpu.memory_space<hbm>>
      %dma_wait3A_22 = tpu.memref_squeeze %dma_wait3A_21 : memref<1x125x80xi32, #tpu.memory_space<hbm>> -> memref<125x80xi32, #tpu.memory_space<hbm>>
      tpu.wait_dma2 semaphore(%run_scoped3A : memref<!tpu.dma_semaphore, #tpu.memory_space<semaphore_mem>>) src(%dma_wait3A_22 : memref<125x80xi32, #tpu.memory_space<hbm>>) dst(%arg7 : memref<125x80xi32, #tpu.memory_space<vmem>>)
      tpu.yield
    }) : () -> ()
    "tpu.region"() ({
      %run_scoped3A = tpu.sem_alloc : memref<!tpu.dma_semaphore, #tpu.memory_space<semaphore_mem>>
      %dma_start3A = arith.constant 0 : i32
      %dma_start3A_9 = arith.constant 0 : i32
      %dma_start3A_10 = tpu.memref_slice %arg4[%add3A, %dma_start3A, %dma_start3A_9] : memref<32x125x80xi32, #tpu.memory_space<hbm>> -> memref<1x125x80xi32, #tpu.memory_space<hbm>>
      %dma_start3A_11 = tpu.memref_squeeze %dma_start3A_10 : memref<1x125x80xi32, #tpu.memory_space<hbm>> -> memref<125x80xi32, #tpu.memory_space<hbm>>
      %dma_start3A_12 = arith.constant 0 : i32
      %dma_start3A_13 = arith.constant 0 : i32
      %dma_start3A_14 = tpu.memref_slice %arg4[%add3A, %dma_start3A_12, %dma_start3A_13] : memref<32x125x80xi32, #tpu.memory_space<hbm>> -> memref<1x125x80xi32, #tpu.memory_space<hbm>>
      %dma_start3A_15 = tpu.memref_squeeze %dma_start3A_14 : memref<1x125x80xi32, #tpu.memory_space<hbm>> -> memref<125x80xi32, #tpu.memory_space<hbm>>
      tpu.enqueue_dma source(%dma_start3A_15 : memref<125x80xi32, #tpu.memory_space<hbm>>) target(%arg8 : memref<125x80xi32, #tpu.memory_space<vmem>>) target_semaphore(%run_scoped3A : memref<!tpu.dma_semaphore, #tpu.memory_space<semaphore_mem>>)
      %dma_wait3A = arith.constant 0 : i32
      %dma_wait3A_16 = arith.constant 0 : i32
      %dma_wait3A_17 = tpu.memref_slice %arg4[%add3A, %dma_wait3A, %dma_wait3A_16] : memref<32x125x80xi32, #tpu.memory_space<hbm>> -> memref<1x125x80xi32, #tpu.memory_space<hbm>>
      %dma_wait3A_18 = tpu.memref_squeeze %dma_wait3A_17 : memref<1x125x80xi32, #tpu.memory_space<hbm>> -> memref<125x80xi32, #tpu.memory_space<hbm>>
      %dma_wait3A_19 = arith.constant 0 : i32
      %dma_wait3A_20 = arith.constant 0 : i32
      %dma_wait3A_21 = tpu.memref_slice %arg4[%add3A, %dma_wait3A_19, %dma_wait3A_20] : memref<32x125x80xi32, #tpu.memory_space<hbm>> -> memref<1x125x80xi32, #tpu.memory_space<hbm>>
      %dma_wait3A_22 = tpu.memref_squeeze %dma_wait3A_21 : memref<1x125x80xi32, #tpu.memory_space<hbm>> -> memref<125x80xi32, #tpu.memory_space<hbm>>
      tpu.wait_dma2 semaphore(%run_scoped3A : memref<!tpu.dma_semaphore, #tpu.memory_space<semaphore_mem>>) src(%dma_wait3A_22 : memref<125x80xi32, #tpu.memory_space<hbm>>) dst(%arg8 : memref<125x80xi32, #tpu.memory_space<vmem>>)
      tpu.yield
    }) : () -> ()
    %barrier3A = arith.constant 0 : index
    tpu.barrier barrier_id(%barrier3A)
    %scan3A = arith.constant 0 : i32
    %scan3A_3 = arith.constant 0 : i32
    %scan3A_4 = arith.constant 125 : i32
    %scan3A_5 = arith.addi %scan3A_3, %scan3A_4 : i32
    %scan3A_6 = arith.constant 1 : i32
    scf.for %scan3A_9 = %scan3A_3 to %scan3A_5 step %scan3A_6  : i32 {
      "tpu.region"() ({
        %run_scoped3A = tpu.sem_alloc : memref<!tpu.dma_semaphore, #tpu.memory_space<semaphore_mem>>
        %dma_start3A = arith.constant 0 : i32
        %dma_start3A_10 = tpu.memref_slice %arg7[%scan3A_9, %dma_start3A] : memref<125x80xi32, #tpu.memory_space<vmem>> -> memref<1x80xi32, #tpu.memory_space<vmem>>
        %dma_start3A_11 = tpu.memref_squeeze %dma_start3A_10 : memref<1x80xi32, #tpu.memory_space<vmem>> -> memref<80xi32, #tpu.memory_space<vmem>>
        %dma_start3A_12 = arith.constant 0 : i32
        %dma_start3A_13 = arith.constant 0 : i32
        %dma_start3A_14 = tpu.memref_slice %arg2[%dma_start3A_12, %dma_start3A_13] : memref<10000x128xf32, #tpu.memory_space<hbm>> -> memref<10000x128xf32, #tpu.memory_space<hbm>>
        tpu.enqueue_indirect_dma source(%dma_start3A_14 : memref<10000x128xf32, #tpu.memory_space<hbm>>) target(%arg9 : memref<80x128xf32, #tpu.memory_space<vmem>>) offsets(%dma_start3A_11 : memref<80xi32, #tpu.memory_space<vmem>>) semaphore(%run_scoped3A : memref<!tpu.dma_semaphore, #tpu.memory_space<semaphore_mem>>)
        %dma_wait3A = arith.constant 0 : i32
        %dma_wait3A_15 = tpu.memref_slice %arg7[%scan3A_9, %dma_wait3A] : memref<125x80xi32, #tpu.memory_space<vmem>> -> memref<1x80xi32, #tpu.memory_space<vmem>>
        %dma_wait3A_16 = tpu.memref_squeeze %dma_wait3A_15 : memref<1x80xi32, #tpu.memory_space<vmem>> -> memref<80xi32, #tpu.memory_space<vmem>>
        %dma_wait3A_17 = arith.constant 0 : i32
        %dma_wait3A_18 = arith.constant 0 : i32
        %dma_wait3A_19 = tpu.memref_slice %arg2[%dma_wait3A_17, %dma_wait3A_18] : memref<10000x128xf32, #tpu.memory_space<hbm>> -> memref<10000x128xf32, #tpu.memory_space<hbm>>
        tpu.wait_indirect_dma semaphore(%run_scoped3A : memref<!tpu.dma_semaphore, #tpu.memory_space<semaphore_mem>>) src(%dma_wait3A_19 : memref<10000x128xf32, #tpu.memory_space<hbm>>) dst(%arg9 : memref<80x128xf32, #tpu.memory_space<vmem>>)
        tpu.yield
      }) : () -> ()
      "tpu.region"() ({
        %run_scoped3A = tpu.sem_alloc : memref<!tpu.dma_semaphore, #tpu.memory_space<semaphore_mem>>
        %dma_start3A = arith.constant 0 : i32
        %dma_start3A_10 = tpu.memref_slice %arg8[%scan3A_9, %dma_start3A] : memref<125x80xi32, #tpu.memory_space<vmem>> -> memref<1x80xi32, #tpu.memory_space<vmem>>
        %dma_start3A_11 = tpu.memref_squeeze %dma_start3A_10 : memref<1x80xi32, #tpu.memory_space<vmem>> -> memref<80xi32, #tpu.memory_space<vmem>>
        %dma_start3A_12 = arith.constant 0 : i32
        %dma_start3A_13 = arith.constant 0 : i32
        %dma_start3A_14 = tpu.memref_slice %arg10[%dma_start3A_12, %dma_start3A_13] : memref<10240x128xf32, #tpu.memory_space<vmem_shared>> -> memref<10240x128xf32, #tpu.memory_space<vmem_shared>>
        tpu.enqueue_indirect_dma source(%arg9 : memref<80x128xf32, #tpu.memory_space<vmem>>) target(%dma_start3A_14 : memref<10240x128xf32, #tpu.memory_space<vmem_shared>>) offsets(%dma_start3A_11 : memref<80xi32, #tpu.memory_space<vmem>>) semaphore(%run_scoped3A : memref<!tpu.dma_semaphore, #tpu.memory_space<semaphore_mem>>) {add = true}
        %dma_wait3A = arith.constant 0 : i32
        %dma_wait3A_15 = tpu.memref_slice %arg8[%scan3A_9, %dma_wait3A] : memref<125x80xi32, #tpu.memory_space<vmem>> -> memref<1x80xi32, #tpu.memory_space<vmem>>
        %dma_wait3A_16 = tpu.memref_squeeze %dma_wait3A_15 : memref<1x80xi32, #tpu.memory_space<vmem>> -> memref<80xi32, #tpu.memory_space<vmem>>
        %dma_wait3A_17 = arith.constant 0 : i32
        %dma_wait3A_18 = arith.constant 0 : i32
        %dma_wait3A_19 = tpu.memref_slice %arg10[%dma_wait3A_17, %dma_wait3A_18] : memref<10240x128xf32, #tpu.memory_space<vmem_shared>> -> memref<10240x128xf32, #tpu.memory_space<vmem_shared>>
        tpu.wait_indirect_dma semaphore(%run_scoped3A : memref<!tpu.dma_semaphore, #tpu.memory_space<semaphore_mem>>) src(%arg9 : memref<80x128xf32, #tpu.memory_space<vmem>>) dst(%dma_wait3A_19 : memref<10240x128xf32, #tpu.memory_space<vmem_shared>>)
        tpu.yield
      }) : () -> ()
    }
    %scan3A_7 = arith.constant 125 : i32
    %barrier3A_8 = arith.constant 0 : index
    tpu.barrier barrier_id(%barrier3A_8)
    "tpu.region"() ({
      %run_scoped3A = tpu.sem_alloc : memref<!tpu.dma_semaphore, #tpu.memory_space<semaphore_mem>>
      %dma_start3A = arith.constant 0 : i32
      %dma_start3A_9 = arith.constant 0 : i32
      %dma_start3A_10 = tpu.memref_slice %arg6[%arg0, %arg1, %dma_start3A, %dma_start3A_9] : memref<2x16x640x128xf32, #tpu.memory_space<hbm>> -> memref<1x1x640x128xf32, #tpu.memory_space<hbm>>
      %dma_start3A_11 = tpu.memref_squeeze %dma_start3A_10 : memref<1x1x640x128xf32, #tpu.memory_space<hbm>> -> memref<640x128xf32, #tpu.memory_space<hbm>>
      %dma_start3A_12 = arith.constant 0 : i32
      %dma_start3A_13 = tpu.memref_slice %arg10[%mul3A_2, %dma_start3A_12] : memref<10240x128xf32, #tpu.memory_space<vmem_shared>> -> memref<640x128xf32, #tpu.memory_space<vmem_shared>>
      tpu.enqueue_dma source(%dma_start3A_13 : memref<640x128xf32, #tpu.memory_space<vmem_shared>>) target(%dma_start3A_11 : memref<640x128xf32, #tpu.memory_space<hbm>>) target_semaphore(%run_scoped3A : memref<!tpu.dma_semaphore, #tpu.memory_space<semaphore_mem>>)
      %dma_wait3A = arith.constant 0 : i32
      %dma_wait3A_14 = arith.constant 0 : i32
      %dma_wait3A_15 = tpu.memref_slice %arg6[%arg0, %arg1, %dma_wait3A, %dma_wait3A_14] : memref<2x16x640x128xf32, #tpu.memory_space<hbm>> -> memref<1x1x640x128xf32, #tpu.memory_space<hbm>>
      %dma_wait3A_16 = tpu.memref_squeeze %dma_wait3A_15 : memref<1x1x640x128xf32, #tpu.memory_space<hbm>> -> memref<640x128xf32, #tpu.memory_space<hbm>>
      %dma_wait3A_17 = arith.constant 0 : i32
      %dma_wait3A_18 = tpu.memref_slice %arg10[%mul3A_2, %dma_wait3A_17] : memref<10240x128xf32, #tpu.memory_space<vmem_shared>> -> memref<640x128xf32, #tpu.memory_space<vmem_shared>>
      tpu.wait_dma2 semaphore(%run_scoped3A : memref<!tpu.dma_semaphore, #tpu.memory_space<semaphore_mem>>) src(%dma_wait3A_18 : memref<640x128xf32, #tpu.memory_space<vmem_shared>>) dst(%dma_wait3A_16 : memref<640x128xf32, #tpu.memory_space<hbm>>)
      tpu.yield
    }) : () -> ()
    return
  }
}

#map = affine_map<(d0, d1) -> (0, 0)>
#map1 = affine_map<(d0, d1) -> (0, 0, 0)>
#map2 = affine_map<(d0, d1) -> (0, 0, 0, 0)>
module attributes {stable_mosaic.version = 14 : i64} {
  func.func @_prop_pass(%arg0: i32, %arg1: i32, %arg2: memref<10000x128xf32, #tpu.memory_space<hbm>>, %arg3: memref<32x125x80xi32, #tpu.memory_space<hbm>>, %arg4: memref<32x125x80xi32, #tpu.memory_space<hbm>>, %arg5: memref<640x128xf32, #tpu.memory_space<hbm>>, %arg6: memref<2x16x640x128xf32, #tpu.memory_space<hbm>>, %arg7: memref<125x80xi32, #tpu.memory_space<vmem>>, %arg8: memref<125x80xi32, #tpu.memory_space<vmem>>, %arg9: memref<80x128xf32, #tpu.memory_space<vmem>>, %arg10: memref<10240x128xf32, #tpu.memory_space<vmem_shared>>) attributes {dimension_semantics = [#tpu.dimension_semantics<core_parallel>, #tpu.dimension_semantics<subcore_parallel>], iteration_bounds = array<i64: 2, 16>, scalar_prefetch = 0 : i64, scratch_operands = 4 : i64, tpu.core_type = #tpu.core_type<sc_vector_subcore>, window_params = [{transform_indices = #map}, {transform_indices = #map1}, {transform_indices = #map1}, {transform_indices = #map}, {transform_indices = #map2}]} {
    %mul3A = arith.constant 2 : i32
    %mul3A_0 = arith.muli %arg1, %mul3A : i32
    %add3A = arith.addi %mul3A_0, %arg0 : i32
    %mul3A_1 = arith.constant 640 : i32
    %mul3A_2 = arith.muli %arg1, %mul3A_1 : i32
    "tpu.region"() ({
      %run_scoped3A = tpu.sem_alloc : memref<!tpu.dma_semaphore, #tpu.memory_space<semaphore_mem>>
      %dma_start3A = arith.constant 0 : i32
      %dma_start3A_9 = tpu.memref_slice %arg10[%mul3A_2, %dma_start3A] : memref<10240x128xf32, #tpu.memory_space<vmem_shared>> -> memref<640x128xf32, #tpu.memory_space<vmem_shared>>
      tpu.enqueue_dma source(%arg5 : memref<640x128xf32, #tpu.memory_space<hbm>>) target(%dma_start3A_9 : memref<640x128xf32, #tpu.memory_space<vmem_shared>>) target_semaphore(%run_scoped3A : memref<!tpu.dma_semaphore, #tpu.memory_space<semaphore_mem>>)
      %dma_wait3A = arith.constant 0 : i32
      %dma_wait3A_10 = tpu.memref_slice %arg10[%mul3A_2, %dma_wait3A] : memref<10240x128xf32, #tpu.memory_space<vmem_shared>> -> memref<640x128xf32, #tpu.memory_space<vmem_shared>>
      tpu.wait_dma2 semaphore(%run_scoped3A : memref<!tpu.dma_semaphore, #tpu.memory_space<semaphore_mem>>) src(%arg5 : memref<640x128xf32, #tpu.memory_space<hbm>>) dst(%dma_wait3A_10 : memref<640x128xf32, #tpu.memory_space<vmem_shared>>)
      tpu.yield
    }) : () -> ()
    "tpu.region"() ({
      %run_scoped3A = tpu.sem_alloc : memref<!tpu.dma_semaphore, #tpu.memory_space<semaphore_mem>>
      %dma_start3A = arith.constant 0 : i32
      %dma_start3A_9 = arith.constant 0 : i32
      %dma_start3A_10 = tpu.memref_slice %arg3[%add3A, %dma_start3A, %dma_start3A_9] : memref<32x125x80xi32, #tpu.memory_space<hbm>> -> memref<1x125x80xi32, #tpu.memory_space<hbm>>
      %dma_start3A_11 = tpu.memref_squeeze %dma_start3A_10 : memref<1x125x80xi32, #tpu.memory_space<hbm>> -> memref<125x80xi32, #tpu.memory_space<hbm>>
      %dma_start3A_12 = arith.constant 0 : i32
      %dma_start3A_13 = arith.constant 0 : i32
      %dma_start3A_14 = tpu.memref_slice %arg3[%add3A, %dma_start3A_12, %dma_start3A_13] : memref<32x125x80xi32, #tpu.memory_space<hbm>> -> memref<1x125x80xi32, #tpu.memory_space<hbm>>
      %dma_start3A_15 = tpu.memref_squeeze %dma_start3A_14 : memref<1x125x80xi32, #tpu.memory_space<hbm>> -> memref<125x80xi32, #tpu.memory_space<hbm>>
      tpu.enqueue_dma source(%dma_start3A_15 : memref<125x80xi32, #tpu.memory_space<hbm>>) target(%arg7 : memref<125x80xi32, #tpu.memory_space<vmem>>) target_semaphore(%run_scoped3A : memref<!tpu.dma_semaphore, #tpu.memory_space<semaphore_mem>>)
      %dma_wait3A = arith.constant 0 : i32
      %dma_wait3A_16 = arith.constant 0 : i32
      %dma_wait3A_17 = tpu.memref_slice %arg3[%add3A, %dma_wait3A, %dma_wait3A_16] : memref<32x125x80xi32, #tpu.memory_space<hbm>> -> memref<1x125x80xi32, #tpu.memory_space<hbm>>
      %dma_wait3A_18 = tpu.memref_squeeze %dma_wait3A_17 : memref<1x125x80xi32, #tpu.memory_space<hbm>> -> memref<125x80xi32, #tpu.memory_space<hbm>>
      %dma_wait3A_19 = arith.constant 0 : i32
      %dma_wait3A_20 = arith.constant 0 : i32
      %dma_wait3A_21 = tpu.memref_slice %arg3[%add3A, %dma_wait3A_19, %dma_wait3A_20] : memref<32x125x80xi32, #tpu.memory_space<hbm>> -> memref<1x125x80xi32, #tpu.memory_space<hbm>>
      %dma_wait3A_22 = tpu.memref_squeeze %dma_wait3A_21 : memref<1x125x80xi32, #tpu.memory_space<hbm>> -> memref<125x80xi32, #tpu.memory_space<hbm>>
      tpu.wait_dma2 semaphore(%run_scoped3A : memref<!tpu.dma_semaphore, #tpu.memory_space<semaphore_mem>>) src(%dma_wait3A_22 : memref<125x80xi32, #tpu.memory_space<hbm>>) dst(%arg7 : memref<125x80xi32, #tpu.memory_space<vmem>>)
      tpu.yield
    }) : () -> ()
    "tpu.region"() ({
      %run_scoped3A = tpu.sem_alloc : memref<!tpu.dma_semaphore, #tpu.memory_space<semaphore_mem>>
      %dma_start3A = arith.constant 0 : i32
      %dma_start3A_9 = arith.constant 0 : i32
      %dma_start3A_10 = tpu.memref_slice %arg4[%add3A, %dma_start3A, %dma_start3A_9] : memref<32x125x80xi32, #tpu.memory_space<hbm>> -> memref<1x125x80xi32, #tpu.memory_space<hbm>>
      %dma_start3A_11 = tpu.memref_squeeze %dma_start3A_10 : memref<1x125x80xi32, #tpu.memory_space<hbm>> -> memref<125x80xi32, #tpu.memory_space<hbm>>
      %dma_start3A_12 = arith.constant 0 : i32
      %dma_start3A_13 = arith.constant 0 : i32
      %dma_start3A_14 = tpu.memref_slice %arg4[%add3A, %dma_start3A_12, %dma_start3A_13] : memref<32x125x80xi32, #tpu.memory_space<hbm>> -> memref<1x125x80xi32, #tpu.memory_space<hbm>>
      %dma_start3A_15 = tpu.memref_squeeze %dma_start3A_14 : memref<1x125x80xi32, #tpu.memory_space<hbm>> -> memref<125x80xi32, #tpu.memory_space<hbm>>
      tpu.enqueue_dma source(%dma_start3A_15 : memref<125x80xi32, #tpu.memory_space<hbm>>) target(%arg8 : memref<125x80xi32, #tpu.memory_space<vmem>>) target_semaphore(%run_scoped3A : memref<!tpu.dma_semaphore, #tpu.memory_space<semaphore_mem>>)
      %dma_wait3A = arith.constant 0 : i32
      %dma_wait3A_16 = arith.constant 0 : i32
      %dma_wait3A_17 = tpu.memref_slice %arg4[%add3A, %dma_wait3A, %dma_wait3A_16] : memref<32x125x80xi32, #tpu.memory_space<hbm>> -> memref<1x125x80xi32, #tpu.memory_space<hbm>>
      %dma_wait3A_18 = tpu.memref_squeeze %dma_wait3A_17 : memref<1x125x80xi32, #tpu.memory_space<hbm>> -> memref<125x80xi32, #tpu.memory_space<hbm>>
      %dma_wait3A_19 = arith.constant 0 : i32
      %dma_wait3A_20 = arith.constant 0 : i32
      %dma_wait3A_21 = tpu.memref_slice %arg4[%add3A, %dma_wait3A_19, %dma_wait3A_20] : memref<32x125x80xi32, #tpu.memory_space<hbm>> -> memref<1x125x80xi32, #tpu.memory_space<hbm>>
      %dma_wait3A_22 = tpu.memref_squeeze %dma_wait3A_21 : memref<1x125x80xi32, #tpu.memory_space<hbm>> -> memref<125x80xi32, #tpu.memory_space<hbm>>
      tpu.wait_dma2 semaphore(%run_scoped3A : memref<!tpu.dma_semaphore, #tpu.memory_space<semaphore_mem>>) src(%dma_wait3A_22 : memref<125x80xi32, #tpu.memory_space<hbm>>) dst(%arg8 : memref<125x80xi32, #tpu.memory_space<vmem>>)
      tpu.yield
    }) : () -> ()
    %barrier3A = arith.constant 0 : index
    tpu.barrier barrier_id(%barrier3A)
    %scan3A = arith.constant 0 : i32
    %scan3A_3 = arith.constant 0 : i32
    %scan3A_4 = arith.constant 125 : i32
    %scan3A_5 = arith.addi %scan3A_3, %scan3A_4 : i32
    %scan3A_6 = arith.constant 1 : i32
    scf.for %scan3A_9 = %scan3A_3 to %scan3A_5 step %scan3A_6  : i32 {
      "tpu.region"() ({
        %run_scoped3A = tpu.sem_alloc : memref<!tpu.dma_semaphore, #tpu.memory_space<semaphore_mem>>
        %dma_start3A = arith.constant 0 : i32
        %dma_start3A_10 = tpu.memref_slice %arg7[%scan3A_9, %dma_start3A] : memref<125x80xi32, #tpu.memory_space<vmem>> -> memref<1x80xi32, #tpu.memory_space<vmem>>
        %dma_start3A_11 = tpu.memref_squeeze %dma_start3A_10 : memref<1x80xi32, #tpu.memory_space<vmem>> -> memref<80xi32, #tpu.memory_space<vmem>>
        %dma_start3A_12 = arith.constant 0 : i32
        %dma_start3A_13 = arith.constant 0 : i32
        %dma_start3A_14 = tpu.memref_slice %arg2[%dma_start3A_12, %dma_start3A_13] : memref<10000x128xf32, #tpu.memory_space<hbm>> -> memref<10000x128xf32, #tpu.memory_space<hbm>>
        tpu.enqueue_indirect_dma source(%dma_start3A_14 : memref<10000x128xf32, #tpu.memory_space<hbm>>) target(%arg9 : memref<80x128xf32, #tpu.memory_space<vmem>>) offsets(%dma_start3A_11 : memref<80xi32, #tpu.memory_space<vmem>>) semaphore(%run_scoped3A : memref<!tpu.dma_semaphore, #tpu.memory_space<semaphore_mem>>)
        %dma_wait3A = arith.constant 0 : i32
        %dma_wait3A_15 = tpu.memref_slice %arg7[%scan3A_9, %dma_wait3A] : memref<125x80xi32, #tpu.memory_space<vmem>> -> memref<1x80xi32, #tpu.memory_space<vmem>>
        %dma_wait3A_16 = tpu.memref_squeeze %dma_wait3A_15 : memref<1x80xi32, #tpu.memory_space<vmem>> -> memref<80xi32, #tpu.memory_space<vmem>>
        %dma_wait3A_17 = arith.constant 0 : i32
        %dma_wait3A_18 = arith.constant 0 : i32
        %dma_wait3A_19 = tpu.memref_slice %arg2[%dma_wait3A_17, %dma_wait3A_18] : memref<10000x128xf32, #tpu.memory_space<hbm>> -> memref<10000x128xf32, #tpu.memory_space<hbm>>
        tpu.wait_indirect_dma semaphore(%run_scoped3A : memref<!tpu.dma_semaphore, #tpu.memory_space<semaphore_mem>>) src(%dma_wait3A_19 : memref<10000x128xf32, #tpu.memory_space<hbm>>) dst(%arg9 : memref<80x128xf32, #tpu.memory_space<vmem>>)
        tpu.yield
      }) : () -> ()
      "tpu.region"() ({
        %run_scoped3A = tpu.sem_alloc : memref<!tpu.dma_semaphore, #tpu.memory_space<semaphore_mem>>
        %dma_start3A = arith.constant 0 : i32
        %dma_start3A_10 = tpu.memref_slice %arg8[%scan3A_9, %dma_start3A] : memref<125x80xi32, #tpu.memory_space<vmem>> -> memref<1x80xi32, #tpu.memory_space<vmem>>
        %dma_start3A_11 = tpu.memref_squeeze %dma_start3A_10 : memref<1x80xi32, #tpu.memory_space<vmem>> -> memref<80xi32, #tpu.memory_space<vmem>>
        %dma_start3A_12 = arith.constant 0 : i32
        %dma_start3A_13 = arith.constant 0 : i32
        %dma_start3A_14 = tpu.memref_slice %arg10[%dma_start3A_12, %dma_start3A_13] : memref<10240x128xf32, #tpu.memory_space<vmem_shared>> -> memref<10240x128xf32, #tpu.memory_space<vmem_shared>>
        tpu.enqueue_indirect_dma source(%arg9 : memref<80x128xf32, #tpu.memory_space<vmem>>) target(%dma_start3A_14 : memref<10240x128xf32, #tpu.memory_space<vmem_shared>>) offsets(%dma_start3A_11 : memref<80xi32, #tpu.memory_space<vmem>>) semaphore(%run_scoped3A : memref<!tpu.dma_semaphore, #tpu.memory_space<semaphore_mem>>) {add = true}
        %dma_wait3A = arith.constant 0 : i32
        %dma_wait3A_15 = tpu.memref_slice %arg8[%scan3A_9, %dma_wait3A] : memref<125x80xi32, #tpu.memory_space<vmem>> -> memref<1x80xi32, #tpu.memory_space<vmem>>
        %dma_wait3A_16 = tpu.memref_squeeze %dma_wait3A_15 : memref<1x80xi32, #tpu.memory_space<vmem>> -> memref<80xi32, #tpu.memory_space<vmem>>
        %dma_wait3A_17 = arith.constant 0 : i32
        %dma_wait3A_18 = arith.constant 0 : i32
        %dma_wait3A_19 = tpu.memref_slice %arg10[%dma_wait3A_17, %dma_wait3A_18] : memref<10240x128xf32, #tpu.memory_space<vmem_shared>> -> memref<10240x128xf32, #tpu.memory_space<vmem_shared>>
        tpu.wait_indirect_dma semaphore(%run_scoped3A : memref<!tpu.dma_semaphore, #tpu.memory_space<semaphore_mem>>) src(%arg9 : memref<80x128xf32, #tpu.memory_space<vmem>>) dst(%dma_wait3A_19 : memref<10240x128xf32, #tpu.memory_space<vmem_shared>>)
        tpu.yield
      }) : () -> ()
    }
    %scan3A_7 = arith.constant 125 : i32
    %barrier3A_8 = arith.constant 0 : index
    tpu.barrier barrier_id(%barrier3A_8)
    "tpu.region"() ({
      %run_scoped3A = tpu.sem_alloc : memref<!tpu.dma_semaphore, #tpu.memory_space<semaphore_mem>>
      %dma_start3A = arith.constant 0 : i32
      %dma_start3A_9 = arith.constant 0 : i32
      %dma_start3A_10 = tpu.memref_slice %arg6[%arg0, %arg1, %dma_start3A, %dma_start3A_9] : memref<2x16x640x128xf32, #tpu.memory_space<hbm>> -> memref<1x1x640x128xf32, #tpu.memory_space<hbm>>
      %dma_start3A_11 = tpu.memref_squeeze %dma_start3A_10 : memref<1x1x640x128xf32, #tpu.memory_space<hbm>> -> memref<640x128xf32, #tpu.memory_space<hbm>>
      %dma_start3A_12 = arith.constant 0 : i32
      %dma_start3A_13 = tpu.memref_slice %arg10[%mul3A_2, %dma_start3A_12] : memref<10240x128xf32, #tpu.memory_space<vmem_shared>> -> memref<640x128xf32, #tpu.memory_space<vmem_shared>>
      tpu.enqueue_dma source(%dma_start3A_13 : memref<640x128xf32, #tpu.memory_space<vmem_shared>>) target(%dma_start3A_11 : memref<640x128xf32, #tpu.memory_space<hbm>>) target_semaphore(%run_scoped3A : memref<!tpu.dma_semaphore, #tpu.memory_space<semaphore_mem>>)
      %dma_wait3A = arith.constant 0 : i32
      %dma_wait3A_14 = arith.constant 0 : i32
      %dma_wait3A_15 = tpu.memref_slice %arg6[%arg0, %arg1, %dma_wait3A, %dma_wait3A_14] : memref<2x16x640x128xf32, #tpu.memory_space<hbm>> -> memref<1x1x640x128xf32, #tpu.memory_space<hbm>>
      %dma_wait3A_16 = tpu.memref_squeeze %dma_wait3A_15 : memref<1x1x640x128xf32, #tpu.memory_space<hbm>> -> memref<640x128xf32, #tpu.memory_space<hbm>>
      %dma_wait3A_17 = arith.constant 0 : i32
      %dma_wait3A_18 = tpu.memref_slice %arg10[%mul3A_2, %dma_wait3A_17] : memref<10240x128xf32, #tpu.memory_space<vmem_shared>> -> memref<640x128xf32, #tpu.memory_space<vmem_shared>>
      tpu.wait_dma2 semaphore(%run_scoped3A : memref<!tpu.dma_semaphore, #tpu.memory_space<semaphore_mem>>) src(%dma_wait3A_18 : memref<640x128xf32, #tpu.memory_space<vmem_shared>>) dst(%dma_wait3A_16 : memref<640x128xf32, #tpu.memory_space<hbm>>)
      tpu.yield
    }) : () -> ()
    return
  }
}

#map = affine_map<(d0, d1) -> (0, 0)>
#map1 = affine_map<(d0, d1) -> (0, 0, 0)>
#map2 = affine_map<(d0, d1) -> (0, 0, 0, 0)>
module attributes {stable_mosaic.version = 14 : i64} {
  func.func @_prop_pass(%arg0: i32, %arg1: i32, %arg2: memref<10000x128xf32, #tpu.memory_space<hbm>>, %arg3: memref<32x125x80xi32, #tpu.memory_space<hbm>>, %arg4: memref<32x125x80xi32, #tpu.memory_space<hbm>>, %arg5: memref<640x128xf32, #tpu.memory_space<hbm>>, %arg6: memref<2x16x640x128xf32, #tpu.memory_space<hbm>>, %arg7: memref<125x80xi32, #tpu.memory_space<vmem>>, %arg8: memref<125x80xi32, #tpu.memory_space<vmem>>, %arg9: memref<80x128xf32, #tpu.memory_space<vmem>>, %arg10: memref<10240x128xf32, #tpu.memory_space<vmem_shared>>) attributes {dimension_semantics = [#tpu.dimension_semantics<core_parallel>, #tpu.dimension_semantics<subcore_parallel>], iteration_bounds = array<i64: 2, 16>, scalar_prefetch = 0 : i64, scratch_operands = 4 : i64, tpu.core_type = #tpu.core_type<sc_vector_subcore>, window_params = [{transform_indices = #map}, {transform_indices = #map1}, {transform_indices = #map1}, {transform_indices = #map}, {transform_indices = #map2}]} {
    %mul3A = arith.constant 2 : i32
    %mul3A_0 = arith.muli %arg1, %mul3A : i32
    %add3A = arith.addi %mul3A_0, %arg0 : i32
    %mul3A_1 = arith.constant 640 : i32
    %mul3A_2 = arith.muli %arg1, %mul3A_1 : i32
    "tpu.region"() ({
      %run_scoped3A = tpu.sem_alloc : memref<!tpu.dma_semaphore, #tpu.memory_space<semaphore_mem>>
      %dma_start3A = arith.constant 0 : i32
      %dma_start3A_9 = tpu.memref_slice %arg10[%mul3A_2, %dma_start3A] : memref<10240x128xf32, #tpu.memory_space<vmem_shared>> -> memref<640x128xf32, #tpu.memory_space<vmem_shared>>
      tpu.enqueue_dma source(%arg5 : memref<640x128xf32, #tpu.memory_space<hbm>>) target(%dma_start3A_9 : memref<640x128xf32, #tpu.memory_space<vmem_shared>>) target_semaphore(%run_scoped3A : memref<!tpu.dma_semaphore, #tpu.memory_space<semaphore_mem>>)
      %dma_wait3A = arith.constant 0 : i32
      %dma_wait3A_10 = tpu.memref_slice %arg10[%mul3A_2, %dma_wait3A] : memref<10240x128xf32, #tpu.memory_space<vmem_shared>> -> memref<640x128xf32, #tpu.memory_space<vmem_shared>>
      tpu.wait_dma2 semaphore(%run_scoped3A : memref<!tpu.dma_semaphore, #tpu.memory_space<semaphore_mem>>) src(%arg5 : memref<640x128xf32, #tpu.memory_space<hbm>>) dst(%dma_wait3A_10 : memref<640x128xf32, #tpu.memory_space<vmem_shared>>)
      tpu.yield
    }) : () -> ()
    "tpu.region"() ({
      %run_scoped3A = tpu.sem_alloc : memref<!tpu.dma_semaphore, #tpu.memory_space<semaphore_mem>>
      %dma_start3A = arith.constant 0 : i32
      %dma_start3A_9 = arith.constant 0 : i32
      %dma_start3A_10 = tpu.memref_slice %arg3[%add3A, %dma_start3A, %dma_start3A_9] : memref<32x125x80xi32, #tpu.memory_space<hbm>> -> memref<1x125x80xi32, #tpu.memory_space<hbm>>
      %dma_start3A_11 = tpu.memref_squeeze %dma_start3A_10 : memref<1x125x80xi32, #tpu.memory_space<hbm>> -> memref<125x80xi32, #tpu.memory_space<hbm>>
      %dma_start3A_12 = arith.constant 0 : i32
      %dma_start3A_13 = arith.constant 0 : i32
      %dma_start3A_14 = tpu.memref_slice %arg3[%add3A, %dma_start3A_12, %dma_start3A_13] : memref<32x125x80xi32, #tpu.memory_space<hbm>> -> memref<1x125x80xi32, #tpu.memory_space<hbm>>
      %dma_start3A_15 = tpu.memref_squeeze %dma_start3A_14 : memref<1x125x80xi32, #tpu.memory_space<hbm>> -> memref<125x80xi32, #tpu.memory_space<hbm>>
      tpu.enqueue_dma source(%dma_start3A_15 : memref<125x80xi32, #tpu.memory_space<hbm>>) target(%arg7 : memref<125x80xi32, #tpu.memory_space<vmem>>) target_semaphore(%run_scoped3A : memref<!tpu.dma_semaphore, #tpu.memory_space<semaphore_mem>>)
      %dma_wait3A = arith.constant 0 : i32
      %dma_wait3A_16 = arith.constant 0 : i32
      %dma_wait3A_17 = tpu.memref_slice %arg3[%add3A, %dma_wait3A, %dma_wait3A_16] : memref<32x125x80xi32, #tpu.memory_space<hbm>> -> memref<1x125x80xi32, #tpu.memory_space<hbm>>
      %dma_wait3A_18 = tpu.memref_squeeze %dma_wait3A_17 : memref<1x125x80xi32, #tpu.memory_space<hbm>> -> memref<125x80xi32, #tpu.memory_space<hbm>>
      %dma_wait3A_19 = arith.constant 0 : i32
      %dma_wait3A_20 = arith.constant 0 : i32
      %dma_wait3A_21 = tpu.memref_slice %arg3[%add3A, %dma_wait3A_19, %dma_wait3A_20] : memref<32x125x80xi32, #tpu.memory_space<hbm>> -> memref<1x125x80xi32, #tpu.memory_space<hbm>>
      %dma_wait3A_22 = tpu.memref_squeeze %dma_wait3A_21 : memref<1x125x80xi32, #tpu.memory_space<hbm>> -> memref<125x80xi32, #tpu.memory_space<hbm>>
      tpu.wait_dma2 semaphore(%run_scoped3A : memref<!tpu.dma_semaphore, #tpu.memory_space<semaphore_mem>>) src(%dma_wait3A_22 : memref<125x80xi32, #tpu.memory_space<hbm>>) dst(%arg7 : memref<125x80xi32, #tpu.memory_space<vmem>>)
      tpu.yield
    }) : () -> ()
    "tpu.region"() ({
      %run_scoped3A = tpu.sem_alloc : memref<!tpu.dma_semaphore, #tpu.memory_space<semaphore_mem>>
      %dma_start3A = arith.constant 0 : i32
      %dma_start3A_9 = arith.constant 0 : i32
      %dma_start3A_10 = tpu.memref_slice %arg4[%add3A, %dma_start3A, %dma_start3A_9] : memref<32x125x80xi32, #tpu.memory_space<hbm>> -> memref<1x125x80xi32, #tpu.memory_space<hbm>>
      %dma_start3A_11 = tpu.memref_squeeze %dma_start3A_10 : memref<1x125x80xi32, #tpu.memory_space<hbm>> -> memref<125x80xi32, #tpu.memory_space<hbm>>
      %dma_start3A_12 = arith.constant 0 : i32
      %dma_start3A_13 = arith.constant 0 : i32
      %dma_start3A_14 = tpu.memref_slice %arg4[%add3A, %dma_start3A_12, %dma_start3A_13] : memref<32x125x80xi32, #tpu.memory_space<hbm>> -> memref<1x125x80xi32, #tpu.memory_space<hbm>>
      %dma_start3A_15 = tpu.memref_squeeze %dma_start3A_14 : memref<1x125x80xi32, #tpu.memory_space<hbm>> -> memref<125x80xi32, #tpu.memory_space<hbm>>
      tpu.enqueue_dma source(%dma_start3A_15 : memref<125x80xi32, #tpu.memory_space<hbm>>) target(%arg8 : memref<125x80xi32, #tpu.memory_space<vmem>>) target_semaphore(%run_scoped3A : memref<!tpu.dma_semaphore, #tpu.memory_space<semaphore_mem>>)
      %dma_wait3A = arith.constant 0 : i32
      %dma_wait3A_16 = arith.constant 0 : i32
      %dma_wait3A_17 = tpu.memref_slice %arg4[%add3A, %dma_wait3A, %dma_wait3A_16] : memref<32x125x80xi32, #tpu.memory_space<hbm>> -> memref<1x125x80xi32, #tpu.memory_space<hbm>>
      %dma_wait3A_18 = tpu.memref_squeeze %dma_wait3A_17 : memref<1x125x80xi32, #tpu.memory_space<hbm>> -> memref<125x80xi32, #tpu.memory_space<hbm>>
      %dma_wait3A_19 = arith.constant 0 : i32
      %dma_wait3A_20 = arith.constant 0 : i32
      %dma_wait3A_21 = tpu.memref_slice %arg4[%add3A, %dma_wait3A_19, %dma_wait3A_20] : memref<32x125x80xi32, #tpu.memory_space<hbm>> -> memref<1x125x80xi32, #tpu.memory_space<hbm>>
      %dma_wait3A_22 = tpu.memref_squeeze %dma_wait3A_21 : memref<1x125x80xi32, #tpu.memory_space<hbm>> -> memref<125x80xi32, #tpu.memory_space<hbm>>
      tpu.wait_dma2 semaphore(%run_scoped3A : memref<!tpu.dma_semaphore, #tpu.memory_space<semaphore_mem>>) src(%dma_wait3A_22 : memref<125x80xi32, #tpu.memory_space<hbm>>) dst(%arg8 : memref<125x80xi32, #tpu.memory_space<vmem>>)
      tpu.yield
    }) : () -> ()
    %barrier3A = arith.constant 0 : index
    tpu.barrier barrier_id(%barrier3A)
    %scan3A = arith.constant 0 : i32
    %scan3A_3 = arith.constant 0 : i32
    %scan3A_4 = arith.constant 125 : i32
    %scan3A_5 = arith.addi %scan3A_3, %scan3A_4 : i32
    %scan3A_6 = arith.constant 1 : i32
    scf.for %scan3A_9 = %scan3A_3 to %scan3A_5 step %scan3A_6  : i32 {
      "tpu.region"() ({
        %run_scoped3A = tpu.sem_alloc : memref<!tpu.dma_semaphore, #tpu.memory_space<semaphore_mem>>
        %dma_start3A = arith.constant 0 : i32
        %dma_start3A_10 = tpu.memref_slice %arg7[%scan3A_9, %dma_start3A] : memref<125x80xi32, #tpu.memory_space<vmem>> -> memref<1x80xi32, #tpu.memory_space<vmem>>
        %dma_start3A_11 = tpu.memref_squeeze %dma_start3A_10 : memref<1x80xi32, #tpu.memory_space<vmem>> -> memref<80xi32, #tpu.memory_space<vmem>>
        %dma_start3A_12 = arith.constant 0 : i32
        %dma_start3A_13 = arith.constant 0 : i32
        %dma_start3A_14 = tpu.memref_slice %arg2[%dma_start3A_12, %dma_start3A_13] : memref<10000x128xf32, #tpu.memory_space<hbm>> -> memref<10000x128xf32, #tpu.memory_space<hbm>>
        tpu.enqueue_indirect_dma source(%dma_start3A_14 : memref<10000x128xf32, #tpu.memory_space<hbm>>) target(%arg9 : memref<80x128xf32, #tpu.memory_space<vmem>>) offsets(%dma_start3A_11 : memref<80xi32, #tpu.memory_space<vmem>>) semaphore(%run_scoped3A : memref<!tpu.dma_semaphore, #tpu.memory_space<semaphore_mem>>)
        %dma_wait3A = arith.constant 0 : i32
        %dma_wait3A_15 = tpu.memref_slice %arg7[%scan3A_9, %dma_wait3A] : memref<125x80xi32, #tpu.memory_space<vmem>> -> memref<1x80xi32, #tpu.memory_space<vmem>>
        %dma_wait3A_16 = tpu.memref_squeeze %dma_wait3A_15 : memref<1x80xi32, #tpu.memory_space<vmem>> -> memref<80xi32, #tpu.memory_space<vmem>>
        %dma_wait3A_17 = arith.constant 0 : i32
        %dma_wait3A_18 = arith.constant 0 : i32
        %dma_wait3A_19 = tpu.memref_slice %arg2[%dma_wait3A_17, %dma_wait3A_18] : memref<10000x128xf32, #tpu.memory_space<hbm>> -> memref<10000x128xf32, #tpu.memory_space<hbm>>
        tpu.wait_indirect_dma semaphore(%run_scoped3A : memref<!tpu.dma_semaphore, #tpu.memory_space<semaphore_mem>>) src(%dma_wait3A_19 : memref<10000x128xf32, #tpu.memory_space<hbm>>) dst(%arg9 : memref<80x128xf32, #tpu.memory_space<vmem>>)
        tpu.yield
      }) : () -> ()
      "tpu.region"() ({
        %run_scoped3A = tpu.sem_alloc : memref<!tpu.dma_semaphore, #tpu.memory_space<semaphore_mem>>
        %dma_start3A = arith.constant 0 : i32
        %dma_start3A_10 = tpu.memref_slice %arg8[%scan3A_9, %dma_start3A] : memref<125x80xi32, #tpu.memory_space<vmem>> -> memref<1x80xi32, #tpu.memory_space<vmem>>
        %dma_start3A_11 = tpu.memref_squeeze %dma_start3A_10 : memref<1x80xi32, #tpu.memory_space<vmem>> -> memref<80xi32, #tpu.memory_space<vmem>>
        %dma_start3A_12 = arith.constant 0 : i32
        %dma_start3A_13 = arith.constant 0 : i32
        %dma_start3A_14 = tpu.memref_slice %arg10[%dma_start3A_12, %dma_start3A_13] : memref<10240x128xf32, #tpu.memory_space<vmem_shared>> -> memref<10240x128xf32, #tpu.memory_space<vmem_shared>>
        tpu.enqueue_indirect_dma source(%arg9 : memref<80x128xf32, #tpu.memory_space<vmem>>) target(%dma_start3A_14 : memref<10240x128xf32, #tpu.memory_space<vmem_shared>>) offsets(%dma_start3A_11 : memref<80xi32, #tpu.memory_space<vmem>>) semaphore(%run_scoped3A : memref<!tpu.dma_semaphore, #tpu.memory_space<semaphore_mem>>) {add = true}
        %dma_wait3A = arith.constant 0 : i32
        %dma_wait3A_15 = tpu.memref_slice %arg8[%scan3A_9, %dma_wait3A] : memref<125x80xi32, #tpu.memory_space<vmem>> -> memref<1x80xi32, #tpu.memory_space<vmem>>
        %dma_wait3A_16 = tpu.memref_squeeze %dma_wait3A_15 : memref<1x80xi32, #tpu.memory_space<vmem>> -> memref<80xi32, #tpu.memory_space<vmem>>
        %dma_wait3A_17 = arith.constant 0 : i32
        %dma_wait3A_18 = arith.constant 0 : i32
        %dma_wait3A_19 = tpu.memref_slice %arg10[%dma_wait3A_17, %dma_wait3A_18] : memref<10240x128xf32, #tpu.memory_space<vmem_shared>> -> memref<10240x128xf32, #tpu.memory_space<vmem_shared>>
        tpu.wait_indirect_dma semaphore(%run_scoped3A : memref<!tpu.dma_semaphore, #tpu.memory_space<semaphore_mem>>) src(%arg9 : memref<80x128xf32, #tpu.memory_space<vmem>>) dst(%dma_wait3A_19 : memref<10240x128xf32, #tpu.memory_space<vmem_shared>>)
        tpu.yield
      }) : () -> ()
    }
    %scan3A_7 = arith.constant 125 : i32
    %barrier3A_8 = arith.constant 0 : index
    tpu.barrier barrier_id(%barrier3A_8)
    "tpu.region"() ({
      %run_scoped3A = tpu.sem_alloc : memref<!tpu.dma_semaphore, #tpu.memory_space<semaphore_mem>>
      %dma_start3A = arith.constant 0 : i32
      %dma_start3A_9 = arith.constant 0 : i32
      %dma_start3A_10 = tpu.memref_slice %arg6[%arg0, %arg1, %dma_start3A, %dma_start3A_9] : memref<2x16x640x128xf32, #tpu.memory_space<hbm>> -> memref<1x1x640x128xf32, #tpu.memory_space<hbm>>
      %dma_start3A_11 = tpu.memref_squeeze %dma_start3A_10 : memref<1x1x640x128xf32, #tpu.memory_space<hbm>> -> memref<640x128xf32, #tpu.memory_space<hbm>>
      %dma_start3A_12 = arith.constant 0 : i32
      %dma_start3A_13 = tpu.memref_slice %arg10[%mul3A_2, %dma_start3A_12] : memref<10240x128xf32, #tpu.memory_space<vmem_shared>> -> memref<640x128xf32, #tpu.memory_space<vmem_shared>>
      tpu.enqueue_dma source(%dma_start3A_13 : memref<640x128xf32, #tpu.memory_space<vmem_shared>>) target(%dma_start3A_11 : memref<640x128xf32, #tpu.memory_space<hbm>>) target_semaphore(%run_scoped3A : memref<!tpu.dma_semaphore, #tpu.memory_space<semaphore_mem>>)
      %dma_wait3A = arith.constant 0 : i32
      %dma_wait3A_14 = arith.constant 0 : i32
      %dma_wait3A_15 = tpu.memref_slice %arg6[%arg0, %arg1, %dma_wait3A, %dma_wait3A_14] : memref<2x16x640x128xf32, #tpu.memory_space<hbm>> -> memref<1x1x640x128xf32, #tpu.memory_space<hbm>>
      %dma_wait3A_16 = tpu.memref_squeeze %dma_wait3A_15 : memref<1x1x640x128xf32, #tpu.memory_space<hbm>> -> memref<640x128xf32, #tpu.memory_space<hbm>>
      %dma_wait3A_17 = arith.constant 0 : i32
      %dma_wait3A_18 = tpu.memref_slice %arg10[%mul3A_2, %dma_wait3A_17] : memref<10240x128xf32, #tpu.memory_space<vmem_shared>> -> memref<640x128xf32, #tpu.memory_space<vmem_shared>>
      tpu.wait_dma2 semaphore(%run_scoped3A : memref<!tpu.dma_semaphore, #tpu.memory_space<semaphore_mem>>) src(%dma_wait3A_18 : memref<640x128xf32, #tpu.memory_space<vmem_shared>>) dst(%dma_wait3A_16 : memref<640x128xf32, #tpu.memory_space<hbm>>)
      tpu.yield
    }) : () -> ()
    return
  }
}

#map = affine_map<(d0, d1) -> (0, 0)>
#map1 = affine_map<(d0, d1) -> (0, 0, 0)>
#map2 = affine_map<(d0, d1) -> (0, 0, 0, 0)>
module attributes {stable_mosaic.version = 14 : i64} {
  func.func @_prop_pass(%arg0: i32, %arg1: i32, %arg2: memref<10000x128xf32, #tpu.memory_space<hbm>>, %arg3: memref<32x125x80xi32, #tpu.memory_space<hbm>>, %arg4: memref<32x125x80xi32, #tpu.memory_space<hbm>>, %arg5: memref<640x128xf32, #tpu.memory_space<hbm>>, %arg6: memref<2x16x640x128xf32, #tpu.memory_space<hbm>>, %arg7: memref<125x80xi32, #tpu.memory_space<vmem>>, %arg8: memref<125x80xi32, #tpu.memory_space<vmem>>, %arg9: memref<80x128xf32, #tpu.memory_space<vmem>>, %arg10: memref<10240x128xf32, #tpu.memory_space<vmem_shared>>) attributes {dimension_semantics = [#tpu.dimension_semantics<core_parallel>, #tpu.dimension_semantics<subcore_parallel>], iteration_bounds = array<i64: 2, 16>, scalar_prefetch = 0 : i64, scratch_operands = 4 : i64, tpu.core_type = #tpu.core_type<sc_vector_subcore>, window_params = [{transform_indices = #map}, {transform_indices = #map1}, {transform_indices = #map1}, {transform_indices = #map}, {transform_indices = #map2}]} {
    %mul3A = arith.constant 2 : i32
    %mul3A_0 = arith.muli %arg1, %mul3A : i32
    %add3A = arith.addi %mul3A_0, %arg0 : i32
    %mul3A_1 = arith.constant 640 : i32
    %mul3A_2 = arith.muli %arg1, %mul3A_1 : i32
    "tpu.region"() ({
      %run_scoped3A = tpu.sem_alloc : memref<!tpu.dma_semaphore, #tpu.memory_space<semaphore_mem>>
      %dma_start3A = arith.constant 0 : i32
      %dma_start3A_9 = tpu.memref_slice %arg10[%mul3A_2, %dma_start3A] : memref<10240x128xf32, #tpu.memory_space<vmem_shared>> -> memref<640x128xf32, #tpu.memory_space<vmem_shared>>
      tpu.enqueue_dma source(%arg5 : memref<640x128xf32, #tpu.memory_space<hbm>>) target(%dma_start3A_9 : memref<640x128xf32, #tpu.memory_space<vmem_shared>>) target_semaphore(%run_scoped3A : memref<!tpu.dma_semaphore, #tpu.memory_space<semaphore_mem>>)
      %dma_wait3A = arith.constant 0 : i32
      %dma_wait3A_10 = tpu.memref_slice %arg10[%mul3A_2, %dma_wait3A] : memref<10240x128xf32, #tpu.memory_space<vmem_shared>> -> memref<640x128xf32, #tpu.memory_space<vmem_shared>>
      tpu.wait_dma2 semaphore(%run_scoped3A : memref<!tpu.dma_semaphore, #tpu.memory_space<semaphore_mem>>) src(%arg5 : memref<640x128xf32, #tpu.memory_space<hbm>>) dst(%dma_wait3A_10 : memref<640x128xf32, #tpu.memory_space<vmem_shared>>)
      tpu.yield
    }) : () -> ()
    "tpu.region"() ({
      %run_scoped3A = tpu.sem_alloc : memref<!tpu.dma_semaphore, #tpu.memory_space<semaphore_mem>>
      %dma_start3A = arith.constant 0 : i32
      %dma_start3A_9 = arith.constant 0 : i32
      %dma_start3A_10 = tpu.memref_slice %arg3[%add3A, %dma_start3A, %dma_start3A_9] : memref<32x125x80xi32, #tpu.memory_space<hbm>> -> memref<1x125x80xi32, #tpu.memory_space<hbm>>
      %dma_start3A_11 = tpu.memref_squeeze %dma_start3A_10 : memref<1x125x80xi32, #tpu.memory_space<hbm>> -> memref<125x80xi32, #tpu.memory_space<hbm>>
      %dma_start3A_12 = arith.constant 0 : i32
      %dma_start3A_13 = arith.constant 0 : i32
      %dma_start3A_14 = tpu.memref_slice %arg3[%add3A, %dma_start3A_12, %dma_start3A_13] : memref<32x125x80xi32, #tpu.memory_space<hbm>> -> memref<1x125x80xi32, #tpu.memory_space<hbm>>
      %dma_start3A_15 = tpu.memref_squeeze %dma_start3A_14 : memref<1x125x80xi32, #tpu.memory_space<hbm>> -> memref<125x80xi32, #tpu.memory_space<hbm>>
      tpu.enqueue_dma source(%dma_start3A_15 : memref<125x80xi32, #tpu.memory_space<hbm>>) target(%arg7 : memref<125x80xi32, #tpu.memory_space<vmem>>) target_semaphore(%run_scoped3A : memref<!tpu.dma_semaphore, #tpu.memory_space<semaphore_mem>>)
      %dma_wait3A = arith.constant 0 : i32
      %dma_wait3A_16 = arith.constant 0 : i32
      %dma_wait3A_17 = tpu.memref_slice %arg3[%add3A, %dma_wait3A, %dma_wait3A_16] : memref<32x125x80xi32, #tpu.memory_space<hbm>> -> memref<1x125x80xi32, #tpu.memory_space<hbm>>
      %dma_wait3A_18 = tpu.memref_squeeze %dma_wait3A_17 : memref<1x125x80xi32, #tpu.memory_space<hbm>> -> memref<125x80xi32, #tpu.memory_space<hbm>>
      %dma_wait3A_19 = arith.constant 0 : i32
      %dma_wait3A_20 = arith.constant 0 : i32
      %dma_wait3A_21 = tpu.memref_slice %arg3[%add3A, %dma_wait3A_19, %dma_wait3A_20] : memref<32x125x80xi32, #tpu.memory_space<hbm>> -> memref<1x125x80xi32, #tpu.memory_space<hbm>>
      %dma_wait3A_22 = tpu.memref_squeeze %dma_wait3A_21 : memref<1x125x80xi32, #tpu.memory_space<hbm>> -> memref<125x80xi32, #tpu.memory_space<hbm>>
      tpu.wait_dma2 semaphore(%run_scoped3A : memref<!tpu.dma_semaphore, #tpu.memory_space<semaphore_mem>>) src(%dma_wait3A_22 : memref<125x80xi32, #tpu.memory_space<hbm>>) dst(%arg7 : memref<125x80xi32, #tpu.memory_space<vmem>>)
      tpu.yield
    }) : () -> ()
    "tpu.region"() ({
      %run_scoped3A = tpu.sem_alloc : memref<!tpu.dma_semaphore, #tpu.memory_space<semaphore_mem>>
      %dma_start3A = arith.constant 0 : i32
      %dma_start3A_9 = arith.constant 0 : i32
      %dma_start3A_10 = tpu.memref_slice %arg4[%add3A, %dma_start3A, %dma_start3A_9] : memref<32x125x80xi32, #tpu.memory_space<hbm>> -> memref<1x125x80xi32, #tpu.memory_space<hbm>>
      %dma_start3A_11 = tpu.memref_squeeze %dma_start3A_10 : memref<1x125x80xi32, #tpu.memory_space<hbm>> -> memref<125x80xi32, #tpu.memory_space<hbm>>
      %dma_start3A_12 = arith.constant 0 : i32
      %dma_start3A_13 = arith.constant 0 : i32
      %dma_start3A_14 = tpu.memref_slice %arg4[%add3A, %dma_start3A_12, %dma_start3A_13] : memref<32x125x80xi32, #tpu.memory_space<hbm>> -> memref<1x125x80xi32, #tpu.memory_space<hbm>>
      %dma_start3A_15 = tpu.memref_squeeze %dma_start3A_14 : memref<1x125x80xi32, #tpu.memory_space<hbm>> -> memref<125x80xi32, #tpu.memory_space<hbm>>
      tpu.enqueue_dma source(%dma_start3A_15 : memref<125x80xi32, #tpu.memory_space<hbm>>) target(%arg8 : memref<125x80xi32, #tpu.memory_space<vmem>>) target_semaphore(%run_scoped3A : memref<!tpu.dma_semaphore, #tpu.memory_space<semaphore_mem>>)
      %dma_wait3A = arith.constant 0 : i32
      %dma_wait3A_16 = arith.constant 0 : i32
      %dma_wait3A_17 = tpu.memref_slice %arg4[%add3A, %dma_wait3A, %dma_wait3A_16] : memref<32x125x80xi32, #tpu.memory_space<hbm>> -> memref<1x125x80xi32, #tpu.memory_space<hbm>>
      %dma_wait3A_18 = tpu.memref_squeeze %dma_wait3A_17 : memref<1x125x80xi32, #tpu.memory_space<hbm>> -> memref<125x80xi32, #tpu.memory_space<hbm>>
      %dma_wait3A_19 = arith.constant 0 : i32
      %dma_wait3A_20 = arith.constant 0 : i32
      %dma_wait3A_21 = tpu.memref_slice %arg4[%add3A, %dma_wait3A_19, %dma_wait3A_20] : memref<32x125x80xi32, #tpu.memory_space<hbm>> -> memref<1x125x80xi32, #tpu.memory_space<hbm>>
      %dma_wait3A_22 = tpu.memref_squeeze %dma_wait3A_21 : memref<1x125x80xi32, #tpu.memory_space<hbm>> -> memref<125x80xi32, #tpu.memory_space<hbm>>
      tpu.wait_dma2 semaphore(%run_scoped3A : memref<!tpu.dma_semaphore, #tpu.memory_space<semaphore_mem>>) src(%dma_wait3A_22 : memref<125x80xi32, #tpu.memory_space<hbm>>) dst(%arg8 : memref<125x80xi32, #tpu.memory_space<vmem>>)
      tpu.yield
    }) : () -> ()
    %barrier3A = arith.constant 0 : index
    tpu.barrier barrier_id(%barrier3A)
    %scan3A = arith.constant 0 : i32
    %scan3A_3 = arith.constant 0 : i32
    %scan3A_4 = arith.constant 125 : i32
    %scan3A_5 = arith.addi %scan3A_3, %scan3A_4 : i32
    %scan3A_6 = arith.constant 1 : i32
    scf.for %scan3A_9 = %scan3A_3 to %scan3A_5 step %scan3A_6  : i32 {
      "tpu.region"() ({
        %run_scoped3A = tpu.sem_alloc : memref<!tpu.dma_semaphore, #tpu.memory_space<semaphore_mem>>
        %dma_start3A = arith.constant 0 : i32
        %dma_start3A_10 = tpu.memref_slice %arg7[%scan3A_9, %dma_start3A] : memref<125x80xi32, #tpu.memory_space<vmem>> -> memref<1x80xi32, #tpu.memory_space<vmem>>
        %dma_start3A_11 = tpu.memref_squeeze %dma_start3A_10 : memref<1x80xi32, #tpu.memory_space<vmem>> -> memref<80xi32, #tpu.memory_space<vmem>>
        %dma_start3A_12 = arith.constant 0 : i32
        %dma_start3A_13 = arith.constant 0 : i32
        %dma_start3A_14 = tpu.memref_slice %arg2[%dma_start3A_12, %dma_start3A_13] : memref<10000x128xf32, #tpu.memory_space<hbm>> -> memref<10000x128xf32, #tpu.memory_space<hbm>>
        tpu.enqueue_indirect_dma source(%dma_start3A_14 : memref<10000x128xf32, #tpu.memory_space<hbm>>) target(%arg9 : memref<80x128xf32, #tpu.memory_space<vmem>>) offsets(%dma_start3A_11 : memref<80xi32, #tpu.memory_space<vmem>>) semaphore(%run_scoped3A : memref<!tpu.dma_semaphore, #tpu.memory_space<semaphore_mem>>)
        %dma_wait3A = arith.constant 0 : i32
        %dma_wait3A_15 = tpu.memref_slice %arg7[%scan3A_9, %dma_wait3A] : memref<125x80xi32, #tpu.memory_space<vmem>> -> memref<1x80xi32, #tpu.memory_space<vmem>>
        %dma_wait3A_16 = tpu.memref_squeeze %dma_wait3A_15 : memref<1x80xi32, #tpu.memory_space<vmem>> -> memref<80xi32, #tpu.memory_space<vmem>>
        %dma_wait3A_17 = arith.constant 0 : i32
        %dma_wait3A_18 = arith.constant 0 : i32
        %dma_wait3A_19 = tpu.memref_slice %arg2[%dma_wait3A_17, %dma_wait3A_18] : memref<10000x128xf32, #tpu.memory_space<hbm>> -> memref<10000x128xf32, #tpu.memory_space<hbm>>
        tpu.wait_indirect_dma semaphore(%run_scoped3A : memref<!tpu.dma_semaphore, #tpu.memory_space<semaphore_mem>>) src(%dma_wait3A_19 : memref<10000x128xf32, #tpu.memory_space<hbm>>) dst(%arg9 : memref<80x128xf32, #tpu.memory_space<vmem>>)
        tpu.yield
      }) : () -> ()
      "tpu.region"() ({
        %run_scoped3A = tpu.sem_alloc : memref<!tpu.dma_semaphore, #tpu.memory_space<semaphore_mem>>
        %dma_start3A = arith.constant 0 : i32
        %dma_start3A_10 = tpu.memref_slice %arg8[%scan3A_9, %dma_start3A] : memref<125x80xi32, #tpu.memory_space<vmem>> -> memref<1x80xi32, #tpu.memory_space<vmem>>
        %dma_start3A_11 = tpu.memref_squeeze %dma_start3A_10 : memref<1x80xi32, #tpu.memory_space<vmem>> -> memref<80xi32, #tpu.memory_space<vmem>>
        %dma_start3A_12 = arith.constant 0 : i32
        %dma_start3A_13 = arith.constant 0 : i32
        %dma_start3A_14 = tpu.memref_slice %arg10[%dma_start3A_12, %dma_start3A_13] : memref<10240x128xf32, #tpu.memory_space<vmem_shared>> -> memref<10240x128xf32, #tpu.memory_space<vmem_shared>>
        tpu.enqueue_indirect_dma source(%arg9 : memref<80x128xf32, #tpu.memory_space<vmem>>) target(%dma_start3A_14 : memref<10240x128xf32, #tpu.memory_space<vmem_shared>>) offsets(%dma_start3A_11 : memref<80xi32, #tpu.memory_space<vmem>>) semaphore(%run_scoped3A : memref<!tpu.dma_semaphore, #tpu.memory_space<semaphore_mem>>) {add = true}
        %dma_wait3A = arith.constant 0 : i32
        %dma_wait3A_15 = tpu.memref_slice %arg8[%scan3A_9, %dma_wait3A] : memref<125x80xi32, #tpu.memory_space<vmem>> -> memref<1x80xi32, #tpu.memory_space<vmem>>
        %dma_wait3A_16 = tpu.memref_squeeze %dma_wait3A_15 : memref<1x80xi32, #tpu.memory_space<vmem>> -> memref<80xi32, #tpu.memory_space<vmem>>
        %dma_wait3A_17 = arith.constant 0 : i32
        %dma_wait3A_18 = arith.constant 0 : i32
        %dma_wait3A_19 = tpu.memref_slice %arg10[%dma_wait3A_17, %dma_wait3A_18] : memref<10240x128xf32, #tpu.memory_space<vmem_shared>> -> memref<10240x128xf32, #tpu.memory_space<vmem_shared>>
        tpu.wait_indirect_dma semaphore(%run_scoped3A : memref<!tpu.dma_semaphore, #tpu.memory_space<semaphore_mem>>) src(%arg9 : memref<80x128xf32, #tpu.memory_space<vmem>>) dst(%dma_wait3A_19 : memref<10240x128xf32, #tpu.memory_space<vmem_shared>>)
        tpu.yield
      }) : () -> ()
    }
    %scan3A_7 = arith.constant 125 : i32
    %barrier3A_8 = arith.constant 0 : index
    tpu.barrier barrier_id(%barrier3A_8)
    "tpu.region"() ({
      %run_scoped3A = tpu.sem_alloc : memref<!tpu.dma_semaphore, #tpu.memory_space<semaphore_mem>>
      %dma_start3A = arith.constant 0 : i32
      %dma_start3A_9 = arith.constant 0 : i32
      %dma_start3A_10 = tpu.memref_slice %arg6[%arg0, %arg1, %dma_start3A, %dma_start3A_9] : memref<2x16x640x128xf32, #tpu.memory_space<hbm>> -> memref<1x1x640x128xf32, #tpu.memory_space<hbm>>
      %dma_start3A_11 = tpu.memref_squeeze %dma_start3A_10 : memref<1x1x640x128xf32, #tpu.memory_space<hbm>> -> memref<640x128xf32, #tpu.memory_space<hbm>>
      %dma_start3A_12 = arith.constant 0 : i32
      %dma_start3A_13 = tpu.memref_slice %arg10[%mul3A_2, %dma_start3A_12] : memref<10240x128xf32, #tpu.memory_space<vmem_shared>> -> memref<640x128xf32, #tpu.memory_space<vmem_shared>>
      tpu.enqueue_dma source(%dma_start3A_13 : memref<640x128xf32, #tpu.memory_space<vmem_shared>>) target(%dma_start3A_11 : memref<640x128xf32, #tpu.memory_space<hbm>>) target_semaphore(%run_scoped3A : memref<!tpu.dma_semaphore, #tpu.memory_space<semaphore_mem>>)
      %dma_wait3A = arith.constant 0 : i32
      %dma_wait3A_14 = arith.constant 0 : i32
      %dma_wait3A_15 = tpu.memref_slice %arg6[%arg0, %arg1, %dma_wait3A, %dma_wait3A_14] : memref<2x16x640x128xf32, #tpu.memory_space<hbm>> -> memref<1x1x640x128xf32, #tpu.memory_space<hbm>>
      %dma_wait3A_16 = tpu.memref_squeeze %dma_wait3A_15 : memref<1x1x640x128xf32, #tpu.memory_space<hbm>> -> memref<640x128xf32, #tpu.memory_space<hbm>>
      %dma_wait3A_17 = arith.constant 0 : i32
      %dma_wait3A_18 = tpu.memref_slice %arg10[%mul3A_2, %dma_wait3A_17] : memref<10240x128xf32, #tpu.memory_space<vmem_shared>> -> memref<640x128xf32, #tpu.memory_space<vmem_shared>>
      tpu.wait_dma2 semaphore(%run_scoped3A : memref<!tpu.dma_semaphore, #tpu.memory_space<semaphore_mem>>) src(%dma_wait3A_18 : memref<640x128xf32, #tpu.memory_space<vmem_shared>>) dst(%dma_wait3A_16 : memref<640x128xf32, #tpu.memory_space<hbm>>)
      tpu.yield
    }) : () -> ()
    return
  }
}

module attributes {stable_mosaic.version = 14 : i64} {
  func.func @_k0_body(%arg0: i32, %arg1: memref<2000x128xf32, #tpu.memory_space<vmem>>, %arg2: memref<128x128xf32, #tpu.memory_space<vmem>>, %arg3: memref<2000x16xf32, #tpu.memory_space<vmem>>, %arg4: memref<2000x16xf32, #tpu.memory_space<vmem>>, %arg5: memref<2000x128xf32, #tpu.memory_space<vmem>>, %arg6: memref<2000x16xf32, #tpu.memory_space<vmem>>) attributes {dimension_semantics = [#tpu.dimension_semantics<arbitrary>], iteration_bounds = array<i64: 5>, scalar_prefetch = 0 : i64, scratch_operands = 0 : i64, tpu.core_type = #tpu.core_type<tc>, window_params = [{transform_indices = @transform_0, window_bounds = array<i64: 2000, 128>}, {pipeline_mode = #tpu.pipeline_mode<synchronous>, transform_indices = @transform_1, window_bounds = array<i64: 128, 128>}, {transform_indices = @transform_2, window_bounds = array<i64: 2000, 16>}, {transform_indices = @transform_3, window_bounds = array<i64: 2000, 16>}, {transform_indices = @transform_4, window_bounds = array<i64: 2000, 128>}, {transform_indices = @transform_5, window_bounds = array<i64: 2000, 16>}]} {
    %get3A = arith.constant 0 : index
    %get3A_0 = arith.constant 0 : index
    %get3A_1 = vector.load %arg3[%get3A, %get3A_0] : memref<2000x16xf32, #tpu.memory_space<vmem>>, vector<2000x16xf32>
    %slice3A = vector.extract_strided_slice %get3A_1 {offsets = [0, 0], sizes = [2000, 1], strides = [1, 1]} : vector<2000x16xf32> to vector<2000x1xf32>
    %get3A_2 = arith.constant 0 : index
    %get3A_3 = arith.constant 0 : index
    %get3A_4 = vector.load %arg4[%get3A_2, %get3A_3] : memref<2000x16xf32, #tpu.memory_space<vmem>>, vector<2000x16xf32>
    %slice3A_5 = vector.extract_strided_slice %get3A_4 {offsets = [0, 0], sizes = [2000, 1], strides = [1, 1]} : vector<2000x16xf32> to vector<2000x1xf32>
    %add3A = arith.addf %slice3A, %slice3A_5 : vector<2000x1xf32>
    %add3A_6 = arith.constant 1.000000e+00 : f32
    %add3A_7 = vector.broadcast %add3A_6 : f32 to vector<2000x1xf32>
    %add3A_8 = arith.addf %add3A, %add3A_7 : vector<2000x1xf32>
    %rsqrt3A = math.rsqrt %add3A_8 : vector<2000x1xf32>
    %get3A_9 = arith.constant 0 : index
    %get3A_10 = arith.constant 0 : index
    %get3A_11 = vector.load %arg1[%get3A_9, %get3A_10] : memref<2000x128xf32, #tpu.memory_space<vmem>>, vector<2000x128xf32>
    %get3A_12 = arith.constant 0 : index
    %get3A_13 = arith.constant 0 : index
    %get3A_14 = vector.load %arg2[%get3A_12, %get3A_13] : memref<128x128xf32, #tpu.memory_space<vmem>>, vector<128x128xf32>
    %dot_general3A = arith.constant dense<0.000000e+00> : vector<2000x128xf32>
    %dot_general3A_15 = tpu.matmul %get3A_11, %get3A_14, %dot_general3A {dimension_numbers = #tpu.dot_dimension_numbers<[1], [0], [0], [1], [0, 0, 1, 1], [], []>, transpose_lhs_hint = false} : vector<2000x128xf32>, vector<128x128xf32>, vector<2000x128xf32> -> vector<2000x128xf32>
    %mul3A = vector.broadcast %rsqrt3A : vector<2000x1xf32> to vector<2000x128xf32>
    %mul3A_16 = arith.mulf %dot_general3A_15, %mul3A : vector<2000x128xf32>
    %swap3A = arith.constant 0 : index
    %swap3A_17 = arith.constant 0 : index
    %swap3A_18 = vector.load %arg5[%swap3A, %swap3A_17] : memref<2000x128xf32, #tpu.memory_space<vmem>>, vector<2000x128xf32>
    tpu.vector_store %arg5[%swap3A, %swap3A_17], %mul3A_16 {strides = array<i32>} : memref<2000x128xf32, #tpu.memory_space<vmem>>, vector<2000x128xf32>,
    %broadcast_in_dim3A = vector.shape_cast %rsqrt3A : vector<2000x1xf32> to vector<2000x1xf32>
    %broadcast_in_dim3A_19 = vector.broadcast %broadcast_in_dim3A : vector<2000x1xf32> to vector<2000x16xf32>
    %swap3A_20 = arith.constant 0 : index
    %swap3A_21 = arith.constant 0 : index
    %swap3A_22 = vector.load %arg6[%swap3A_20, %swap3A_21] : memref<2000x16xf32, #tpu.memory_space<vmem>>, vector<2000x16xf32>
    tpu.vector_store %arg6[%swap3A_20, %swap3A_21], %broadcast_in_dim3A_19 {strides = array<i32>} : memref<2000x16xf32, #tpu.memory_space<vmem>>, vector<2000x16xf32>,
    return
  }
  func.func @transform_0(%arg0: i32) -> (i32, i32) {
    %c0_i32 = arith.constant 0 : i32
    %c0_i32_0 = arith.constant 0 : i32
    return %arg0, %c0_i32 : i32, i32
  }
  func.func @transform_1(%arg0: i32) -> (i32, i32) {
    %c0_i32 = arith.constant 0 : i32
    %c0_i32_0 = arith.constant 0 : i32
    %c0_i32_1 = arith.constant 0 : i32
    return %c0_i32, %c0_i32_0 : i32, i32
  }
  func.func @transform_2(%arg0: i32) -> (i32, i32) {
    %c0_i32 = arith.constant 0 : i32
    %c0_i32_0 = arith.constant 0 : i32
    return %arg0, %c0_i32 : i32, i32
  }
  func.func @transform_3(%arg0: i32) -> (i32, i32) {
    %c0_i32 = arith.constant 0 : i32
    %c0_i32_0 = arith.constant 0 : i32
    return %arg0, %c0_i32 : i32, i32
  }
  func.func @transform_4(%arg0: i32) -> (i32, i32) {
    %c0_i32 = arith.constant 0 : i32
    %c0_i32_0 = arith.constant 0 : i32
    return %arg0, %c0_i32 : i32, i32
  }
  func.func @transform_5(%arg0: i32) -> (i32, i32) {
    %c0_i32 = arith.constant 0 : i32
    %c0_i32_0 = arith.constant 0 : i32
    return %arg0, %c0_i32 : i32, i32
  }
}

module attributes {stable_mosaic.version = 14 : i64} {
  func.func @_kmid_body(%arg0: i32, %arg1: memref<2000x128xf32, #tpu.memory_space<vmem>>, %arg2: memref<2000x128xf32, #tpu.memory_space<vmem>>, %arg3: memref<2000x128xf32, #tpu.memory_space<vmem>>, %arg4: memref<2000x16xf32, #tpu.memory_space<vmem>>, %arg5: memref<1x128xf32, #tpu.memory_space<vmem>>, %arg6: memref<128x128xf32, #tpu.memory_space<vmem>>, %arg7: memref<2000x128xf32, #tpu.memory_space<vmem>>) attributes {dimension_semantics = [#tpu.dimension_semantics<arbitrary>], iteration_bounds = array<i64: 5>, scalar_prefetch = 0 : i64, scratch_operands = 0 : i64, tpu.core_type = #tpu.core_type<tc>, window_params = [{transform_indices = @transform_0, window_bounds = array<i64: 2000, 128>}, {transform_indices = @transform_1, window_bounds = array<i64: 2000, 128>}, {transform_indices = @transform_2, window_bounds = array<i64: 2000, 128>}, {transform_indices = @transform_3, window_bounds = array<i64: 2000, 16>}, {pipeline_mode = #tpu.pipeline_mode<synchronous>, transform_indices = @transform_4, window_bounds = array<i64: 1, 128>}, {pipeline_mode = #tpu.pipeline_mode<synchronous>, transform_indices = @transform_5, window_bounds = array<i64: 128, 128>}, {transform_indices = @transform_6, window_bounds = array<i64: 2000, 128>}]} {
    %get3A = arith.constant 0 : index
    %get3A_0 = arith.constant 0 : index
    %get3A_1 = vector.load %arg4[%get3A, %get3A_0] : memref<2000x16xf32, #tpu.memory_space<vmem>>, vector<2000x16xf32>
    %slice3A = vector.extract_strided_slice %get3A_1 {offsets = [0, 0], sizes = [2000, 1], strides = [1, 1]} : vector<2000x16xf32> to vector<2000x1xf32>
    %get3A_2 = arith.constant 0 : index
    %get3A_3 = arith.constant 0 : index
    %get3A_4 = vector.load %arg1[%get3A_2, %get3A_3] : memref<2000x128xf32, #tpu.memory_space<vmem>>, vector<2000x128xf32>
    %get3A_5 = arith.constant 0 : index
    %get3A_6 = arith.constant 0 : index
    %get3A_7 = vector.load %arg2[%get3A_5, %get3A_6] : memref<2000x128xf32, #tpu.memory_space<vmem>>, vector<2000x128xf32>
    %add3A = arith.addf %get3A_4, %get3A_7 : vector<2000x128xf32>
    %get3A_8 = arith.constant 0 : index
    %get3A_9 = arith.constant 0 : index
    %get3A_10 = vector.load %arg3[%get3A_8, %get3A_9] : memref<2000x128xf32, #tpu.memory_space<vmem>>, vector<2000x128xf32>
    %add3A_11 = arith.addf %add3A, %get3A_10 : vector<2000x128xf32>
    %mul3A = vector.broadcast %slice3A : vector<2000x1xf32> to vector<2000x128xf32>
    %mul3A_12 = arith.mulf %mul3A, %add3A_11 : vector<2000x128xf32>
    %get3A_13 = arith.constant 0 : index
    %get3A_14 = arith.constant 0 : index
    %get3A_15 = vector.load %arg5[%get3A_13, %get3A_14] : memref<1x128xf32, #tpu.memory_space<vmem>>, vector<1x128xf32>
    %add3A_16 = vector.broadcast %get3A_15 : vector<1x128xf32> to vector<2000x128xf32>
    %add3A_17 = arith.addf %mul3A_12, %add3A_16 : vector<2000x128xf32>
    %max3A = arith.constant 0.000000e+00 : f32
    %max3A_18 = vector.broadcast %max3A : f32 to vector<2000x128xf32>
    %max3A_19 = arith.maximumf %add3A_17, %max3A_18 : vector<2000x128xf32>
    %get3A_20 = arith.constant 0 : index
    %get3A_21 = arith.constant 0 : index
    %get3A_22 = vector.load %arg6[%get3A_20, %get3A_21] : memref<128x128xf32, #tpu.memory_space<vmem>>, vector<128x128xf32>
    %dot_general3A = arith.constant dense<0.000000e+00> : vector<2000x128xf32>
    %dot_general3A_23 = tpu.matmul %max3A_19, %get3A_22, %dot_general3A {dimension_numbers = #tpu.dot_dimension_numbers<[1], [0], [0], [1], [0, 0, 1, 1], [], []>, transpose_lhs_hint = false} : vector<2000x128xf32>, vector<128x128xf32>, vector<2000x128xf32> -> vector<2000x128xf32>
    %mul3A_24 = vector.broadcast %slice3A : vector<2000x1xf32> to vector<2000x128xf32>
    %mul3A_25 = arith.mulf %dot_general3A_23, %mul3A_24 : vector<2000x128xf32>
    %swap3A = arith.constant 0 : index
    %swap3A_26 = arith.constant 0 : index
    %swap3A_27 = vector.load %arg7[%swap3A, %swap3A_26] : memref<2000x128xf32, #tpu.memory_space<vmem>>, vector<2000x128xf32>
    tpu.vector_store %arg7[%swap3A, %swap3A_26], %mul3A_25 {strides = array<i32>} : memref<2000x128xf32, #tpu.memory_space<vmem>>, vector<2000x128xf32>,
    return
  }
  func.func @transform_0(%arg0: i32) -> (i32, i32) {
    %c0_i32 = arith.constant 0 : i32
    %c0_i32_0 = arith.constant 0 : i32
    return %arg0, %c0_i32 : i32, i32
  }
  func.func @transform_1(%arg0: i32) -> (i32, i32) {
    %c0_i32 = arith.constant 0 : i32
    %c0_i32_0 = arith.constant 0 : i32
    return %arg0, %c0_i32 : i32, i32
  }
  func.func @transform_2(%arg0: i32) -> (i32, i32) {
    %c0_i32 = arith.constant 0 : i32
    %c0_i32_0 = arith.constant 0 : i32
    return %arg0, %c0_i32 : i32, i32
  }
  func.func @transform_3(%arg0: i32) -> (i32, i32) {
    %c0_i32 = arith.constant 0 : i32
    %c0_i32_0 = arith.constant 0 : i32
    return %arg0, %c0_i32 : i32, i32
  }
  func.func @transform_4(%arg0: i32) -> (i32, i32) {
    %c0_i32 = arith.constant 0 : i32
    %c0_i32_0 = arith.constant 0 : i32
    %c0_i32_1 = arith.constant 0 : i32
    return %c0_i32, %c0_i32_0 : i32, i32
  }
  func.func @transform_5(%arg0: i32) -> (i32, i32) {
    %c0_i32 = arith.constant 0 : i32
    %c0_i32_0 = arith.constant 0 : i32
    %c0_i32_1 = arith.constant 0 : i32
    return %c0_i32, %c0_i32_0 : i32, i32
  }
  func.func @transform_6(%arg0: i32) -> (i32, i32) {
    %c0_i32 = arith.constant 0 : i32
    %c0_i32_0 = arith.constant 0 : i32
    return %arg0, %c0_i32 : i32, i32
  }
}

module attributes {stable_mosaic.version = 14 : i64} {
  func.func @_khead_body(%arg0: i32, %arg1: memref<2000x128xf32, #tpu.memory_space<vmem>>, %arg2: memref<2000x128xf32, #tpu.memory_space<vmem>>, %arg3: memref<2000x128xf32, #tpu.memory_space<vmem>>, %arg4: memref<2000x16xf32, #tpu.memory_space<vmem>>, %arg5: memref<1x128xf32, #tpu.memory_space<vmem>>, %arg6: memref<128x128xf32, #tpu.memory_space<vmem>>, %arg7: memref<1x128xf32, #tpu.memory_space<vmem>>, %arg8: memref<128x128xf32, #tpu.memory_space<vmem>>, %arg9: memref<1x128xf32, #tpu.memory_space<vmem>>, %arg10: memref<128x128xf32, #tpu.memory_space<vmem>>, %arg11: memref<1x128xf32, #tpu.memory_space<vmem>>, %arg12: memref<2000x128xf32, #tpu.memory_space<vmem>>) attributes {dimension_semantics = [#tpu.dimension_semantics<arbitrary>], iteration_bounds = array<i64: 5>, scalar_prefetch = 0 : i64, scratch_operands = 0 : i64, tpu.core_type = #tpu.core_type<tc>, window_params = [{transform_indices = @transform_0, window_bounds = array<i64: 2000, 128>}, {transform_indices = @transform_1, window_bounds = array<i64: 2000, 128>}, {transform_indices = @transform_2, window_bounds = array<i64: 2000, 128>}, {transform_indices = @transform_3, window_bounds = array<i64: 2000, 16>}, {pipeline_mode = #tpu.pipeline_mode<synchronous>, transform_indices = @transform_4, window_bounds = array<i64: 1, 128>}, {pipeline_mode = #tpu.pipeline_mode<synchronous>, transform_indices = @transform_5, window_bounds = array<i64: 128, 128>}, {pipeline_mode = #tpu.pipeline_mode<synchronous>, transform_indices = @transform_6, window_bounds = array<i64: 1, 128>}, {pipeline_mode = #tpu.pipeline_mode<synchronous>, transform_indices = @transform_7, window_bounds = array<i64: 128, 128>}, {pipeline_mode = #tpu.pipeline_mode<synchronous>, transform_indices = @transform_8, window_bounds = array<i64: 1, 128>}, {pipeline_mode = #tpu.pipeline_mode<synchronous>, transform_indices = @transform_9, window_bounds = array<i64: 128, 128>}, {pipeline_mode = #tpu.pipeline_mode<synchronous>, transform_indices = @transform_10, window_bounds = array<i64: 1, 128>}, {transform_indices = @transform_11, window_bounds = array<i64: 2000, 128>}]} {
    %get3A = arith.constant 0 : index
    %get3A_0 = arith.constant 0 : index
    %get3A_1 = vector.load %arg4[%get3A, %get3A_0] : memref<2000x16xf32, #tpu.memory_space<vmem>>, vector<2000x16xf32>
    %slice3A = vector.extract_strided_slice %get3A_1 {offsets = [0, 0], sizes = [2000, 1], strides = [1, 1]} : vector<2000x16xf32> to vector<2000x1xf32>
    %get3A_2 = arith.constant 0 : index
    %get3A_3 = arith.constant 0 : index
    %get3A_4 = vector.load %arg1[%get3A_2, %get3A_3] : memref<2000x128xf32, #tpu.memory_space<vmem>>, vector<2000x128xf32>
    %get3A_5 = arith.constant 0 : index
    %get3A_6 = arith.constant 0 : index
    %get3A_7 = vector.load %arg2[%get3A_5, %get3A_6] : memref<2000x128xf32, #tpu.memory_space<vmem>>, vector<2000x128xf32>
    %add3A = arith.addf %get3A_4, %get3A_7 : vector<2000x128xf32>
    %get3A_8 = arith.constant 0 : index
    %get3A_9 = arith.constant 0 : index
    %get3A_10 = vector.load %arg3[%get3A_8, %get3A_9] : memref<2000x128xf32, #tpu.memory_space<vmem>>, vector<2000x128xf32>
    %add3A_11 = arith.addf %add3A, %get3A_10 : vector<2000x128xf32>
    %mul3A = vector.broadcast %slice3A : vector<2000x1xf32> to vector<2000x128xf32>
    %mul3A_12 = arith.mulf %mul3A, %add3A_11 : vector<2000x128xf32>
    %get3A_13 = arith.constant 0 : index
    %get3A_14 = arith.constant 0 : index
    %get3A_15 = vector.load %arg5[%get3A_13, %get3A_14] : memref<1x128xf32, #tpu.memory_space<vmem>>, vector<1x128xf32>
    %add3A_16 = vector.broadcast %get3A_15 : vector<1x128xf32> to vector<2000x128xf32>
    %add3A_17 = arith.addf %mul3A_12, %add3A_16 : vector<2000x128xf32>
    %max3A = arith.constant 0.000000e+00 : f32
    %max3A_18 = vector.broadcast %max3A : f32 to vector<2000x128xf32>
    %max3A_19 = arith.maximumf %add3A_17, %max3A_18 : vector<2000x128xf32>
    %get3A_20 = arith.constant 0 : index
    %get3A_21 = arith.constant 0 : index
    %get3A_22 = vector.load %arg6[%get3A_20, %get3A_21] : memref<128x128xf32, #tpu.memory_space<vmem>>, vector<128x128xf32>
    %dot_general3A = arith.constant dense<0.000000e+00> : vector<2000x128xf32>
    %dot_general3A_23 = tpu.matmul %max3A_19, %get3A_22, %dot_general3A {dimension_numbers = #tpu.dot_dimension_numbers<[1], [0], [0], [1], [0, 0, 1, 1], [], []>, transpose_lhs_hint = false} : vector<2000x128xf32>, vector<128x128xf32>, vector<2000x128xf32> -> vector<2000x128xf32>
    %get3A_24 = arith.constant 0 : index
    %get3A_25 = arith.constant 0 : index
    %get3A_26 = vector.load %arg7[%get3A_24, %get3A_25] : memref<1x128xf32, #tpu.memory_space<vmem>>, vector<1x128xf32>
    %add3A_27 = vector.broadcast %get3A_26 : vector<1x128xf32> to vector<2000x128xf32>
    %add3A_28 = arith.addf %dot_general3A_23, %add3A_27 : vector<2000x128xf32>
    %max3A_29 = arith.constant 0.000000e+00 : f32
    %max3A_30 = vector.broadcast %max3A_29 : f32 to vector<2000x128xf32>
    %max3A_31 = arith.maximumf %add3A_28, %max3A_30 : vector<2000x128xf32>
    %get3A_32 = arith.constant 0 : index
    %get3A_33 = arith.constant 0 : index
    %get3A_34 = vector.load %arg8[%get3A_32, %get3A_33] : memref<128x128xf32, #tpu.memory_space<vmem>>, vector<128x128xf32>
    %dot_general3A_35 = arith.constant dense<0.000000e+00> : vector<2000x128xf32>
    %dot_general3A_36 = tpu.matmul %max3A_31, %get3A_34, %dot_general3A_35 {dimension_numbers = #tpu.dot_dimension_numbers<[1], [0], [0], [1], [0, 0, 1, 1], [], []>, transpose_lhs_hint = false} : vector<2000x128xf32>, vector<128x128xf32>, vector<2000x128xf32> -> vector<2000x128xf32>
    %get3A_37 = arith.constant 0 : index
    %get3A_38 = arith.constant 0 : index
    %get3A_39 = vector.load %arg9[%get3A_37, %get3A_38] : memref<1x128xf32, #tpu.memory_space<vmem>>, vector<1x128xf32>
    %add3A_40 = vector.broadcast %get3A_39 : vector<1x128xf32> to vector<2000x128xf32>
    %add3A_41 = arith.addf %dot_general3A_36, %add3A_40 : vector<2000x128xf32>
    %max3A_42 = arith.constant 0.000000e+00 : f32
    %max3A_43 = vector.broadcast %max3A_42 : f32 to vector<2000x128xf32>
    %max3A_44 = arith.maximumf %add3A_41, %max3A_43 : vector<2000x128xf32>
    %get3A_45 = arith.constant 0 : index
    %get3A_46 = arith.constant 0 : index
    %get3A_47 = vector.load %arg10[%get3A_45, %get3A_46] : memref<128x128xf32, #tpu.memory_space<vmem>>, vector<128x128xf32>
    %dot_general3A_48 = arith.constant dense<0.000000e+00> : vector<2000x128xf32>
    %dot_general3A_49 = tpu.matmul %max3A_44, %get3A_47, %dot_general3A_48 {dimension_numbers = #tpu.dot_dimension_numbers<[1], [0], [0], [1], [0, 0, 1, 1], [], []>, transpose_lhs_hint = false} : vector<2000x128xf32>, vector<128x128xf32>, vector<2000x128xf32> -> vector<2000x128xf32>
    %get3A_50 = arith.constant 0 : index
    %get3A_51 = arith.constant 0 : index
    %get3A_52 = vector.load %arg11[%get3A_50, %get3A_51] : memref<1x128xf32, #tpu.memory_space<vmem>>, vector<1x128xf32>
    %add3A_53 = vector.broadcast %get3A_52 : vector<1x128xf32> to vector<2000x128xf32>
    %add3A_54 = arith.addf %dot_general3A_49, %add3A_53 : vector<2000x128xf32>
    %swap3A = arith.constant 0 : index
    %swap3A_55 = arith.constant 0 : index
    %swap3A_56 = vector.load %arg12[%swap3A, %swap3A_55] : memref<2000x128xf32, #tpu.memory_space<vmem>>, vector<2000x128xf32>
    tpu.vector_store %arg12[%swap3A, %swap3A_55], %add3A_54 {strides = array<i32>} : memref<2000x128xf32, #tpu.memory_space<vmem>>, vector<2000x128xf32>,
    return
  }
  func.func @transform_0(%arg0: i32) -> (i32, i32) {
    %c0_i32 = arith.constant 0 : i32
    %c0_i32_0 = arith.constant 0 : i32
    return %arg0, %c0_i32 : i32, i32
  }
  func.func @transform_1(%arg0: i32) -> (i32, i32) {
    %c0_i32 = arith.constant 0 : i32
    %c0_i32_0 = arith.constant 0 : i32
    return %arg0, %c0_i32 : i32, i32
  }
  func.func @transform_2(%arg0: i32) -> (i32, i32) {
    %c0_i32 = arith.constant 0 : i32
    %c0_i32_0 = arith.constant 0 : i32
    return %arg0, %c0_i32 : i32, i32
  }
  func.func @transform_3(%arg0: i32) -> (i32, i32) {
    %c0_i32 = arith.constant 0 : i32
    %c0_i32_0 = arith.constant 0 : i32
    return %arg0, %c0_i32 : i32, i32
  }
  func.func @transform_4(%arg0: i32) -> (i32, i32) {
    %c0_i32 = arith.constant 0 : i32
    %c0_i32_0 = arith.constant 0 : i32
    %c0_i32_1 = arith.constant 0 : i32
    return %c0_i32, %c0_i32_0 : i32, i32
  }
  func.func @transform_5(%arg0: i32) -> (i32, i32) {
    %c0_i32 = arith.constant 0 : i32
    %c0_i32_0 = arith.constant 0 : i32
    %c0_i32_1 = arith.constant 0 : i32
    return %c0_i32, %c0_i32_0 : i32, i32
  }
  func.func @transform_6(%arg0: i32) -> (i32, i32) {
    %c0_i32 = arith.constant 0 : i32
    %c0_i32_0 = arith.constant 0 : i32
    %c0_i32_1 = arith.constant 0 : i32
    return %c0_i32, %c0_i32_0 : i32, i32
  }
  func.func @transform_7(%arg0: i32) -> (i32, i32) {
    %c0_i32 = arith.constant 0 : i32
    %c0_i32_0 = arith.constant 0 : i32
    %c0_i32_1 = arith.constant 0 : i32
    return %c0_i32, %c0_i32_0 : i32, i32
  }
  func.func @transform_8(%arg0: i32) -> (i32, i32) {
    %c0_i32 = arith.constant 0 : i32
    %c0_i32_0 = arith.constant 0 : i32
    %c0_i32_1 = arith.constant 0 : i32
    return %c0_i32, %c0_i32_0 : i32, i32
  }
  func.func @transform_9(%arg0: i32) -> (i32, i32) {
    %c0_i32 = arith.constant 0 : i32
    %c0_i32_0 = arith.constant 0 : i32
    %c0_i32_1 = arith.constant 0 : i32
    return %c0_i32, %c0_i32_0 : i32, i32
  }
  func.func @transform_10(%arg0: i32) -> (i32, i32) {
    %c0_i32 = arith.constant 0 : i32
    %c0_i32_0 = arith.constant 0 : i32
    %c0_i32_1 = arith.constant 0 : i32
    return %c0_i32, %c0_i32_0 : i32, i32
  }
  func.func @transform_11(%arg0: i32) -> (i32, i32) {
    %c0_i32 = arith.constant 0 : i32
    %c0_i32_0 = arith.constant 0 : i32
    return %arg0, %c0_i32 : i32, i32
  }
}

</mosaic_0001>

<sc_bundles>
// kernel: kernel.10.cloned.1.call-start
scs
__scs_entry_jumppad:
0x0: {  	(pc) =	sbr.rel $0x88, $3  }
0x1: {  	(tag) =	ssettag $0x0;
	lr =	simm.s32 $0x1  }
0x2: {  	[smem:$0x3F93] =	sst lr;
	_ =	strace $0xD0000000  }
0x3: {  	_ = 	snop  }
0x4: {  	_ = 	snop  }
0x5: {  	_ = 	snop  }
0x6: {  	_ = 	snop  }
0x7: {  	_ = 	snop  }
__scs_overlays_trampoline_lowered:
0x8: {  	[smem:$0x3FA2] =	sst s0  }
0x9: {  	[smem:$0x3FA3] =	sst s1  }
0xa: {  	[smem:$0x3FA4] =	sst s2  }
0xb: {  	[smem:$0x3FA5] =	sst s3  }
0xc: {  	[smem:$0x3FA6] =	sst s4  }
0xd: {  	[smem:$0x3FA7] =	sst s5  }
0xe: {  	[smem:$0x3FA8] =	sst s6  }
0xf: {  	[smem:$0x3FA9] =	sst s7  }
0x10: {  	[smem:$0x3FAA] =	sst s8  }
0x11: {  	[smem:$0x3FAB] =	sst s9;
	s0 =	simm.s32 @!p0 $0x0  }
0x12: {  	s1 =	sld [smem:$0x3F91];
	s0 =	simm.s32 @p0 $0x1  }
0x13: {  	[smem:$0x3FAC] =	sst s0;
	s0 =	simm.s32 @!p1 $0x0  }
0x14: {  	s2 =	sld [smem:$0x3F90];
	s0 =	simm.s32 @p1 $0x1  }
0x15: {  	[smem:$0x3FAD] =	sst s0;
	s0 =	simm.s32 @!p2 $0x0  }
0x16: {  	s3 =	sld [smem:$0x3FDB];
	s0 =	simm.s32 @p2 $0x1  }
0x17: {  	s4 =	simm.s32 $0x1BF5;
	[smem:$0x3FAF] =	sst s0  }
0x18: {  	s0 =	sld [smem:$0x3F92];
	_ =	swait.ge [sflag:s4], $0x0  }
0x19: {  	s7 =	sld [smem:$0x3F93]  }
0x1a: {  	s8 =	sadd.s32 $0xFFFFE003, lr  }
0x1b: {  	s9 =	sadd.s32 $0xFFFFFEF7, lr;
	s5 =	simm.s32 $0xFFFFFFFF;
	p2 =	slt.u32 s8, $0xFFFFF086  }
0x1c: {  	p1 =	slt.u32 s9, $0xF7A;
	s5 =	simm.s32 @!p2 $0x0  }
0x1d: {  	s5 =	simm.s32 @p1 $0x1;
	p0 =	seq.s32 s7, s2  }
0x1e: {  	s7 =	smul.u32 @!p0 $0xF7A, s2;
	p2 =	seq.s32 @!p0 s5, $0x0  }
0x1f: {  	s9 =	smul.u32 $0xF7A, s1;
	s8 =	simm.s32 @!p0 $0x1BF5;
	p2 =	por !p2, p0  }
0x20: {  	[sflag:s8] =	ssyncset.s32 @!p0 $0xFFFFF086;
	s6 =	sadd.s32 @!p0 s3, s7;
	s7 =	simm.s32 @!p0 $0x108  }
0x21: {  	s3 =	sadd.s32 s3, s9;
	s6 =	sadd.s32 @!p0 $0x88, s6;
	s7 =	simm.s32 @p2 $0x1082  }
0x22: {  	[simem:s7], [sflag:s8] =	dma.local @!p0 [hbm:s6], $0xF7A  }
0x23: {  	s9 =	sor.u32 $0xD0000000, s2;
	s6 =	simm.s32 $0x108;
	_ =	swait.ge @!p0 [sflag:s8], $0x0  }
0x24: {  	s3 =	sadd.s32 $0x88, s3;
	s6 =	simm.s32 @!p1 $0x1082;
	[sflag:s4] =	ssyncset.s32 $0xFFFFF086  }
0x25: {  	[simem:s6], [sflag:s4] =	dma.local [hbm:s3], $0xF7A  }
0x26: {  	[smem:$0x3F93] =	sst s1;
	(tag) =	ssettag s2;
	_ =	strace s9  }
0x27: {  	s1 =	sld [smem:$0x3FA3]  }
0x28: {  	s2 =	sld [smem:$0x3FA4]  }
0x29: {  	s4 =	sld [smem:$0x3FA6]  }
0x2a: {  	p0 =	seq.s32 s5, $0x0;
	s5 =	sld [smem:$0x3FA7]  }
0x2b: {  	s6 =	sld [smem:$0x3FA8]  }
0x2c: {  	s7 =	sld [smem:$0x3FA9]  }
0x2d: {  	s3 =	simm.s32 $0x108;
	s8 =	sld [smem:$0x3FAA]  }
0x2e: {  	s3 =	simm.s32 @!p0 $0x1082;
	s9 =	sld [smem:$0x3FAB]  }
0x2f: {  	lr =	sadd.s32 s0, s3;
	s0 =	sld [smem:$0x3FA2]  }
0x30: {  	s3 =	sld [smem:$0x3FA5]  }
0x31: {  	[smem:$0x3FAE] =	sst s10  }
0x32: {  	s10 =	sld [smem:$0x3FAC];
	_ =	sdelay $0x3  }
0x33: {  	p0 =	seq.s32 s10, $0x1;
	s10 =	sld [smem:$0x3FAE];
	_ =	sdelay $0x3  }
0x34: {  	[smem:$0x3FAE] =	sst s10  }
0x35: {  	s10 =	sld [smem:$0x3FAD];
	_ =	sdelay $0x3  }
0x36: {  	p1 =	seq.s32 s10, $0x1;
	s10 =	sld [smem:$0x3FAE];
	_ =	sdelay $0x3  }
0x37: {  	[smem:$0x3FAE] =	sst s10  }
0x38: {  	s10 =	sld [smem:$0x3FAF]  }
0x39: {  	_ = 	snop;
	(pc) =	sbr.ind lr, $3  }
0x3a: {  	_ = 	snop  }
0x3b: {  	_ = 	snop  }
0x3c: {  	p2 =	seq.s32 s10, $0x1;
	s10 =	sld [smem:$0x3FAE]  }
0x3d: {  	_ =	shalt  }
0x3e: {  	_ =	shalt  }
0x3f: {  	_ =	shalt  }
0x40: {  	_ =	shalt  }
0x41: {  	_ =	shalt  }
0x42: {  	_ =	shalt  }
0x43: {  	_ =	shalt  }
0x44: {  	_ =	shalt  }
0x45: {  	_ =	shalt  }
0x46: {  	_ =	shalt  }
0x47: {  	_ =	shalt  }
0x48: {  	_ =	shalt  }
0x49: {  	_ =	shalt  }
0x4a: {  	_ =	shalt  }
0x4b: {  	_ =	shalt  }
0x4c: {  	_ =	shalt  }
0x4d: {  	_ =	shalt  }
0x4e: {  	_ =	shalt  }
0x4f: {  	_ =	shalt  }
0x50: {  	_ =	shalt  }
0x51: {  	_ =	shalt  }
0x52: {  	_ =	shalt  }
0x53: {  	_ =	shalt  }
0x54: {  	_ =	shalt  }
0x55: {  	_ =	shalt  }
0x56: {  	_ =	shalt  }
0x57: {  	_ =	shalt  }
0x58: {  	_ =	shalt  }
0x59: {  	_ =	shalt  }
0x5a: {  	_ =	shalt  }
0x5b: {  	_ =	shalt  }
0x5c: {  	_ =	shalt  }
0x5d: {  	_ =	shalt  }
0x5e: {  	_ =	shalt  }
0x5f: {  	_ =	shalt  }
0x60: {  	_ =	shalt  }
0x61: {  	_ =	shalt  }
0x62: {  	_ =	shalt  }
0x63: {  	_ =	shalt  }
0x64: {  	_ =	shalt  }
0x65: {  	_ =	shalt  }
0x66: {  	_ =	shalt  }
0x67: {  	_ =	shalt  }
0x68: {  	_ =	shalt  }
0x69: {  	_ =	shalt  }
0x6a: {  	_ =	shalt  }
0x6b: {  	_ =	shalt  }
0x6c: {  	_ =	shalt  }
0x6d: {  	_ =	shalt  }
0x6e: {  	_ =	shalt  }
0x6f: {  	_ =	shalt  }
0x70: {  	_ =	shalt  }
0x71: {  	_ =	shalt  }
0x72: {  	_ =	shalt  }
0x73: {  	_ =	shalt  }
0x74: {  	_ =	shalt  }
0x75: {  	_ =	shalt  }
0x76: {  	_ =	shalt  }
0x77: {  	_ =	shalt  }
0x78: {  	_ =	shalt  }
0x79: {  	_ =	shalt  }
0x7a: {  	_ =	shalt  }
0x7b: {  	_ =	shalt  }
0x7c: {  	_ =	shalt  }
0x7d: {  	_ =	shalt  }
0x7e: {  	_ =	shalt  }
0x7f: {  	_ =	shalt  }
0x80: {  	_ =	shalt  }
0x81: {  	_ =	shalt  }
0x82: {  	_ =	shalt  }
0x83: {  	_ =	shalt  }
0x84: {  	_ =	shalt  }
0x85: {  	_ =	shalt  }
0x86: {  	_ =	shalt  }
0x87: {  	_ =	shalt  }
.Lfunc_end0:
.L_simem_size_0:
called_computation_lowered:
.L_overlay_start_0:
0x88: {  	s2 =	sld [smem:$0x3FD9]  }
0x89: {  	s3 =	sld [smem:$0x3FFE];
	_ =	sdelay $0x1  }
0x8a: {  	s1 =	srdreg.scid  }
0x8b: {  	s0 =	sand.u32 $0x1, s1  }
0x8c: {  	s17 =	sshll.u32 s0, $0xA;
	s2 =	sadd.s32 s3, s2  }
0x8d: {  	s2 =	sadd.s32 s2, s17  }
0x8e: {  	[smem:$0x3FBA] =	sst s2  }
0x8f: {  	_ = 	snop  }
0x90: {  	s2 =	sld [smem:$0x3FD0];
	(tm) =	ssettm $0x1  }
0x91: {  	s18 =	sld [smem:$0x3FFB];
	_ =	sdelay $0x3  }
0x92: {  	_ =	strace s18  }
0x93: {  	s3 =	sld [smem:$0x3FFC];
	_ =	sdelay $0x3  }
0x94: {  	_ =	strace s3  }
0x95: {  	s3 =	sld [smem:$0x3FFD];
	_ =	sdelay $0x3  }
0x96: {  	_ =	strace s3  }
0x97: {  	_ =	strace $0x8FFFFFFF  }
0x98: {  	s19 =	sld [smem:$0x3FDB];
	_ =	sdelay $0x1  }
0x99: {  	s4 =	simm.s32 $_scs_section_size  }
0x9a: {  	s5 =	simm.s32 $_size__tile_overlayer_lowered;
	s6 =	simm.s32 $_tile_overlayer_lowered  }
0x9b: {  	s22 =	simm.s32 $0x1BFF;
	s21 =	sshll.u32 s6, $0x1;
	s3 =	sadd.s32 s4, s19  }
0x9c: {  	s7 =	simm.s32 $0x0;
	s20 =	sshll.u32 s5, $0x1;
	s5 =	sadd.s32 s21, s3  }
0x9d: {  	[timem:s7], [sflag:s22] =	dma.local [hbm:s5], s20  }
0x9e: {  	_ =	swait.ge [sflag:s22], s20  }
0x9f: {  	s4 =	ssub.s32 $0x0, s20;
	[sflag:s22] =	ssyncset.done $0x0  }
0xa0: {  	[sflag:s22] =	ssyncadd.s32 s4;
	_ =	sdelay $0x1  }
0xa1: {  	s23 =	simm.s32 $0x1B8B  }
0xa2: {  	_ =	swait.ge [sflag:s23], $0x1  }
0xa3: {  	[sflag:s23] =	ssyncset.done $0x0  }
0xa4: {  	s25 =	simm.s32 $0x1B8E;
	s24 =	sld [smem:$0x3FFE];
	[sflag:s23] =	ssyncadd.s32 $0xFFFFFFFF  }
0xa5: {  	s26 =	simm.s32 $execute0_lowered;
	[smem:$0x3FD2] =	sst s25  }
0xa6: {  	s5 =	sshll.u32 s26, $0x1;
	_ =	strace $0x80000046;
	[dreg:$0x1] =	wrdreg $0xFFFFFFFF  }
0xa7: {  	s28 =	simm.s32 $_size_execute0_lowered;
	s3 =	sadd.s32 s3, s5;
	[dreg:$0x0] =	wrdreg $0x0  }
0xa8: {  	s5 =	sshll.u32 s28, $0x1;
	[dreg:$0x2] =	wrdreg s3  }
0xa9: {  	[dreg:$0x3] =	wrdreg s5  }
0xaa: {  	[dreg:$0x4] =	wrdreg $0xC0  }
0xab: {  	_ =	task [dreg:s7], $0x5FFFF  }
0xac: {  	[dreg:$0x1] =	wrdreg $0xFFFFFFFF  }
0xad: {  	[dreg:$0x0] =	wrdreg $0x60  }
0xae: {  	[dreg:$0x2] =	wrdreg s2  }
0xaf: {  	[dreg:$0x3] =	wrdreg s24  }
0xb0: {  	[dreg:$0x4] =	wrdreg $0xA8000  }
0xb1: {  	[dreg:$0x5] =	wrdreg $0x9  }
0xb2: {  	_ =	task.clear_ibuf [dreg:s7], $0x6FFFF;
	_ =	strace $0x90000046  }
0xb3: {  	s29 =	simm.s32 $0x9;
	_ =	strace $0x80000048  }
0xb4: {  	_ =	swait.ge [sflag:s29], $0x1  }
0xb5: {  	[sflag:s29] =	ssyncadd.s32 $0xFFFFFFFF  }
0xb6: {  	_ =	strace $0x90000048  }
0xb7: {  	_ =	sfence  }
0xb8: {  	s30 =	sld [smem:$0x0];
	_ =	sdelay $0x2  }
0xb9: {  	s31 =	sshll.u32 s1, $0xD;
	s1 =	sshrl.u32 s1, $0x2  }
0xba: {  	s3 =	sand.u32 $0x4000, s31;
	s1 =	sadd.s32 s1, s30  }
0xbb: {  	s0 =	sor.u32 s3, s0;
	s1 =	sshll.u32 s1, $0x11  }
0xbc: {  	s0 =	sor.u32 s1, s0  }
0xbd: {  	s0 =	sadd.s32 $0x8F2B, s0  }
0xbe: {  	[sflag:s0] =	ssyncadd.remote.s32 $0x1  }
0xbf: {  	_ =	sfence.sel $0xFFFF  }
0xc0: {  	[dreg:$0x0] =	wrdreg $0xFFFFFFFF;
	(pc) =	sbr.abs _section_cstart, $3  }
0xc1: {  	[dreg:$0x1] =	wrdreg $0xFFFFFFFF  }
0xc2: {  	_ =	task.clear_ibuf [dreg:s7], $0x2FFFF;
	_ =	strace $0x9FFFFFFF  }
0xc3: {  	(tm) =	ssettm $0x7FFFFFFF  }
tec
execute0_lowered:
.L_overlay_start_1:
0x0: {  	(tag) =	ssettag $0x1  }
0x1: {  	s1 =	rddreg [dreg:$0x0]  }
0x2: {  	s6 =	rddreg [dreg:$0x1]  }
0x3: {  	s2 =	rddreg [dreg:$0x2]  }
0x4: {  	s3 =	srdreg.scid;
	s0 =	rddreg [dreg:$0x3]  }
0x5: {  	s4 =	simm.s32 $0x0;
	s14 =	simm.s32 $0x50;
	s15 =	simm.s32 $0x8000  }
0x6: {  	s16 =	simm.s32 $0x0;
	s5 =	sand.u32 $0x1, s3;
	s3 =	stileid.u32  }
0x7: {  	[smem:$0x7FF] =	sst s4;
	s7 =	smul.u32 $0x140000, s5;
	s8 =	sshll.u32 s3, $0xC  }
0x8: {  	s9 =	sshll.u32 s5, $0xB;
	s10 =	smul.u32 $0x14000, s3;
	_ =	strace $0x80000047  }
0x9: {  	s26 =	ssub.s32 $0x2, s5;
	s28 =	smul.u32 $0x50000, s3;
	s5 =	sadd.s32 $0x24800, s6  }
0xa: {  	s31 =	sshll.u32 s3, $0x6;
	s8 =	sor.u32 s9, s8;
	s29 =	sshrl.u32 s26, $0x1  }
0xb: {  	s8 =	sadd.s32 s8, s6;
	s7 =	sadd.s32 s10, s7;
	s30 =	sshrl.u32 s28, $0x2  }
0xc: {  	s12 =	ssub.s32 s26, s29;
	s7 =	sshrl.u32 s7, $0x3;
	s13 =	sadd.s32 s30, s2  }
0xd: {  	s10 =	smax.u32 s12, $0x1;
	s12 =	simm.s32 $0x1;
	s11 =	sadd.s32 s7, s6  }
0xe: {  	s6 =	sor.u32 $0x1C01, s31;
	s7 =	sadd.s32 $0x4800, s8;
	s8 =	sadd.s32 $0x14800, s8  }
0xf: {  	s9 =	sadd.s32 $0x27000, s11;
	s11 =	sshrl.u32 s13, $0x3;
	s13 =	simm.s32 $0x4000  }
.LBB2_1:
0x10: {  	[spmem:s11], [sflag:s6] =	dma.local [hbm:s5], $0x2800  }
0x11: {  	_ =	swait.ge [sflag:s12], $0x2800  }
0x12: {  	[sflag:s12] =	ssyncset.done $0x0  }
0x13: {  	[sflag:s12] =	ssyncadd.s32 $0xFFFFD800  }
0x14: {  	[tilespmem:s4], [sflag:$0x1] =	stream.linear.gather [hbm4b:s7+s4], $0x3E80, $0x38;
	[tilespmem:$0x1E800] =	vst v63  }
0x15: {  	_ =	swait.ge [sflag:s12], $0x3E80  }
0x16: {  	[sflag:s12] =	ssyncset.done $0x0  }
0x17: {  	[sflag:s12] =	ssyncadd.s32 $0xFFFFC180  }
0x18: {  	[tilespmem:s13], [sflag:$0x1] =	stream.linear.gather [hbm4b:s8+s4], $0x3E80, $0x38;
	[tilespmem:$0x1E800] =	vst v63  }
0x19: {  	_ =	swait.ge [sflag:s12], $0x3E80  }
0x1a: {  	[sflag:s12] =	ssyncset.done $0x0  }
0x1b: {  	[sflag:s12] =	ssyncadd.s32 $0xFFFFC180  }
0x1c: {  	s17 =	simm.s32 $0x0;
	[bflag:$0x0] =	sbarrier.arrive $0xFFFF  }
0x1d: {  	[tilespmem:s15], [sflag:$0x1] =	stream.indirect.gather [hbm4b:s1+s14], $0x80, s17, s14, $0xb8;
	[tilespmem:$0x1E800] =	vst v63  }
0x1e: {  	_ =	swait.ge [sflag:s12], $0x2800  }
0x1f: {  	[sflag:s12] =	ssyncset.done $0x0  }
0x20: {  	s31 =	simm.s32 $0x4000;
	[sflag:s12] =	ssyncadd.s32 $0xFFFFD800  }
0x21: {  	[spmem:s2] =	stream.indirect.scatter.add.f32 [tilespmem:s15], [sflag:$0x1], $0x80, s31, s14, $0xb8;
	[tilespmem:$0x1E800] =	vst v63  }
0x22: {  	_ =	swait.ge [sflag:s12], $0x2800  }
0x23: {  	s18 =	simm.s32 $0x400;
	s17 =	simm.s32 $0x200;
	[sflag:s12] =	ssyncset.done $0x0  }
.LBB2_2:
0x24: {  	s19 =	sshra.s32 s17, $0x2  }
0x25: {  	[sflag:s12] =	ssyncadd.s32 $0xFFFFD800;
	s17 =	smov.u32 s18;
	s20 =	sadd.s32 $0x200, s18  }
0x26: {  	[tilespmem:s15], [sflag:$0x1] =	stream.indirect.gather [hbm4b:s1+s14], $0x80, s19, s14, $0xb8;
	[tilespmem:$0x1E800] =	vst v63  }
0x27: {  	p0 =	sne.s32 s18, $0xF800;
	_ =	swait.ge [sflag:s12], $0x2800  }
.Ltmp0:
0x28: {  	[sflag:s12] =	ssyncset.done $0x0;
	(pc) =	sbr.rel @p0 .LBB2_2-.Ltmp0, $4  }
0x29: {  	s18 =	sadd.s32 $0x4000, s19;
	[sflag:s12] =	ssyncadd.s32 $0xFFFFD800  }
0x2a: {  	[spmem:s2] =	stream.indirect.scatter.add.f32 [tilespmem:s15], [sflag:$0x1], $0x80, s18, s14, $0xb8;
	[tilespmem:$0x1E800] =	vst v63  }
0x2b: {  	_ =	swait.ge [sflag:s12], $0x2800  }
0x2c: {  	s18 =	smov.u32 s20;
	[sflag:s12] =	ssyncset.done $0x0  }
0x2d: {  	s17 =	sshra.s32 s17, $0x2;
	[sflag:s12] =	ssyncadd.s32 $0xFFFFD800  }
0x2e: {  	[tilespmem:s15], [sflag:$0x1] =	stream.indirect.gather [hbm4b:s1+s14], $0x80, s17, s14, $0xb8;
	[tilespmem:$0x1E800] =	vst v63  }
0x2f: {  	_ =	swait.ge [sflag:s12], $0x2800  }
0x30: {  	[sflag:s12] =	ssyncset.done $0x0  }
0x31: {  	s17 =	sadd.s32 $0x4000, s17;
	[sflag:s12] =	ssyncadd.s32 $0xFFFFD800  }
0x32: {  	[spmem:s2] =	stream.indirect.scatter.add.f32 [tilespmem:s15], [sflag:$0x1], $0x80, s17, s14, $0xb8;
	[tilespmem:$0x1E800] =	vst v63  }
0x33: {  	_ =	swait.ge [sflag:s12], $0x2800  }
0x34: {  	s16 =	sadd.s32 $0x1, s16;
	[sflag:s12] =	ssyncset.done $0x0  }
0x35: {  	p0 =	sne.s32 s16, s10;
	[sflag:s12] =	ssyncadd.s32 $0xFFFFD800  }
.Ltmp1:
0x36: {  	[bflag:$0x0] =	sbarrier.arrive $0xFFFF;
	(pc) =	sbr.rel @p0 .LBB2_1-.Ltmp1, $4  }
0x37: {  	[hbm:s9], [sflag:s6] =	dma.local [spmem:s11], $0x2800  }
0x38: {  	_ =	swait.ge [sflag:s12], $0x2800  }
0x39: {  	[sflag:s12] =	ssyncset.done $0x0  }
0x3a: {  	[sflag:s12] =	ssyncadd.s32 $0xFFFFD800  }
0x3b: {  	_ =	sfence.sel $0x180000  }
0x3c: {  	[bflag:$0x0] =	sbarrier.arrive $0xFFFF  }
0x3d: {  	p0 =	sne.s32 s3, $0x0;
	_ =	strace $0x90000047  }
0x3e: {  	s0 =	sadd.s32 @!p0 $0x100000, s0;
	[bflag:$0x2] =	sbarrier.arrive $0xFFFF  }
0x3f: {  	[sflag:s0] =	ssyncadd.tile.s32 @!p0 $0x1;
	_ =	shalt  }
.Lfunc_end2:
_tile_overlayer_lowered:
.L_overlay_start_2:
0x40: {  	(tag) =	ssettag $0x2  }
0x41: {  	s0 =	rddreg [dreg:$0x0];
	s2 =	stileid.u32  }
0x42: {  	s1 =	rddreg [dreg:$0x1];
	p0 =	sne.s32 s2, $0x0  }
0x43: {  	s3 =	rddreg [dreg:$0x2];
	[bflag:$0x3] =	sbarrier.arrive $0xFFFF;
	s2 =	simm.s32 @!p0 $0x1C01  }
0x44: {  	[timem:s3], [sflag:s2] =	dma.local @!p0 [hbm:s0], s1  }
0x45: {  	s0 =	simm.s32 @!p0 $0x1  }
0x46: {  	_ =	swait.ge @!p0 [sflag:s0], s1  }
0x47: {  	s1 =	ssub.s32 @!p0 $0x0, s1;
	[sflag:s0] =	ssyncset.done @!p0 $0x0  }
0x48: {  	[sflag:s0] =	ssyncadd.s32 @!p0 s1  }
0x49: {  	[bflag:$0x3] =	sbarrier.arrive $0xFFFF  }
0x4a: {  	_ =	shalt  }

// kernel: kernel.13.cloned.1.call-start
scs
__scs_entry_jumppad:
0x0: {  	(pc) =	sbr.rel $0x88, $3  }
0x1: {  	(tag) =	ssettag $0x0;
	lr =	simm.s32 $0x1  }
0x2: {  	[smem:$0x3F93] =	sst lr;
	_ =	strace $0xD0000000  }
0x3: {  	_ = 	snop  }
0x4: {  	_ = 	snop  }
0x5: {  	_ = 	snop  }
0x6: {  	_ = 	snop  }
0x7: {  	_ = 	snop  }
__scs_overlays_trampoline_lowered:
0x8: {  	[smem:$0x3FA2] =	sst s0  }
0x9: {  	[smem:$0x3FA3] =	sst s1  }
0xa: {  	[smem:$0x3FA4] =	sst s2  }
0xb: {  	[smem:$0x3FA5] =	sst s3  }
0xc: {  	[smem:$0x3FA6] =	sst s4  }
0xd: {  	[smem:$0x3FA7] =	sst s5  }
0xe: {  	[smem:$0x3FA8] =	sst s6  }
0xf: {  	[smem:$0x3FA9] =	sst s7  }
0x10: {  	[smem:$0x3FAA] =	sst s8  }
0x11: {  	[smem:$0x3FAB] =	sst s9;
	s0 =	simm.s32 @!p0 $0x0  }
0x12: {  	s1 =	sld [smem:$0x3F91];
	s0 =	simm.s32 @p0 $0x1  }
0x13: {  	[smem:$0x3FAC] =	sst s0;
	s0 =	simm.s32 @!p1 $0x0  }
0x14: {  	s2 =	sld [smem:$0x3F90];
	s0 =	simm.s32 @p1 $0x1  }
0x15: {  	[smem:$0x3FAD] =	sst s0;
	s0 =	simm.s32 @!p2 $0x0  }
0x16: {  	s3 =	sld [smem:$0x3FDB];
	s0 =	simm.s32 @p2 $0x1  }
0x17: {  	s4 =	simm.s32 $0x1BF5;
	[smem:$0x3FAF] =	sst s0  }
0x18: {  	s0 =	sld [smem:$0x3F92];
	_ =	swait.ge [sflag:s4], $0x0  }
0x19: {  	s7 =	sld [smem:$0x3F93]  }
0x1a: {  	s8 =	sadd.s32 $0xFFFFE003, lr  }
0x1b: {  	s9 =	sadd.s32 $0xFFFFFEF7, lr;
	s5 =	simm.s32 $0xFFFFFFFF;
	p2 =	slt.u32 s8, $0xFFFFF086  }
0x1c: {  	p1 =	slt.u32 s9, $0xF7A;
	s5 =	simm.s32 @!p2 $0x0  }
0x1d: {  	s5 =	simm.s32 @p1 $0x1;
	p0 =	seq.s32 s7, s2  }
0x1e: {  	s7 =	smul.u32 @!p0 $0xF7A, s2;
	p2 =	seq.s32 @!p0 s5, $0x0  }
0x1f: {  	s9 =	smul.u32 $0xF7A, s1;
	s8 =	simm.s32 @!p0 $0x1BF5;
	p2 =	por !p2, p0  }
0x20: {  	[sflag:s8] =	ssyncset.s32 @!p0 $0xFFFFF086;
	s6 =	sadd.s32 @!p0 s3, s7;
	s7 =	simm.s32 @!p0 $0x108  }
0x21: {  	s3 =	sadd.s32 s3, s9;
	s6 =	sadd.s32 @!p0 $0x88, s6;
	s7 =	simm.s32 @p2 $0x1082  }
0x22: {  	[simem:s7], [sflag:s8] =	dma.local @!p0 [hbm:s6], $0xF7A  }
0x23: {  	s9 =	sor.u32 $0xD0000000, s2;
	s6 =	simm.s32 $0x108;
	_ =	swait.ge @!p0 [sflag:s8], $0x0  }
0x24: {  	s3 =	sadd.s32 $0x88, s3;
	s6 =	simm.s32 @!p1 $0x1082;
	[sflag:s4] =	ssyncset.s32 $0xFFFFF086  }
0x25: {  	[simem:s6], [sflag:s4] =	dma.local [hbm:s3], $0xF7A  }
0x26: {  	[smem:$0x3F93] =	sst s1;
	(tag) =	ssettag s2;
	_ =	strace s9  }
0x27: {  	s1 =	sld [smem:$0x3FA3]  }
0x28: {  	s2 =	sld [smem:$0x3FA4]  }
0x29: {  	s4 =	sld [smem:$0x3FA6]  }
0x2a: {  	p0 =	seq.s32 s5, $0x0;
	s5 =	sld [smem:$0x3FA7]  }
0x2b: {  	s6 =	sld [smem:$0x3FA8]  }
0x2c: {  	s7 =	sld [smem:$0x3FA9]  }
0x2d: {  	s3 =	simm.s32 $0x108;
	s8 =	sld [smem:$0x3FAA]  }
0x2e: {  	s3 =	simm.s32 @!p0 $0x1082;
	s9 =	sld [smem:$0x3FAB]  }
0x2f: {  	lr =	sadd.s32 s0, s3;
	s0 =	sld [smem:$0x3FA2]  }
0x30: {  	s3 =	sld [smem:$0x3FA5]  }
0x31: {  	[smem:$0x3FAE] =	sst s10  }
0x32: {  	s10 =	sld [smem:$0x3FAC];
	_ =	sdelay $0x3  }
0x33: {  	p0 =	seq.s32 s10, $0x1;
	s10 =	sld [smem:$0x3FAE];
	_ =	sdelay $0x3  }
0x34: {  	[smem:$0x3FAE] =	sst s10  }
0x35: {  	s10 =	sld [smem:$0x3FAD];
	_ =	sdelay $0x3  }
0x36: {  	p1 =	seq.s32 s10, $0x1;
	s10 =	sld [smem:$0x3FAE];
	_ =	sdelay $0x3  }
0x37: {  	[smem:$0x3FAE] =	sst s10  }
0x38: {  	s10 =	sld [smem:$0x3FAF]  }
0x39: {  	_ = 	snop;
	(pc) =	sbr.ind lr, $3  }
0x3a: {  	_ = 	snop  }
0x3b: {  	_ = 	snop  }
0x3c: {  	p2 =	seq.s32 s10, $0x1;
	s10 =	sld [smem:$0x3FAE]  }
0x3d: {  	_ =	shalt  }
0x3e: {  	_ =	shalt  }
0x3f: {  	_ =	shalt  }
0x40: {  	_ =	shalt  }
0x41: {  	_ =	shalt  }
0x42: {  	_ =	shalt  }
0x43: {  	_ =	shalt  }
0x44: {  	_ =	shalt  }
0x45: {  	_ =	shalt  }
0x46: {  	_ =	shalt  }
0x47: {  	_ =	shalt  }
0x48: {  	_ =	shalt  }
0x49: {  	_ =	shalt  }
0x4a: {  	_ =	shalt  }
0x4b: {  	_ =	shalt  }
0x4c: {  	_ =	shalt  }
0x4d: {  	_ =	shalt  }
0x4e: {  	_ =	shalt  }
0x4f: {  	_ =	shalt  }
0x50: {  	_ =	shalt  }
0x51: {  	_ =	shalt  }
0x52: {  	_ =	shalt  }
0x53: {  	_ =	shalt  }
0x54: {  	_ =	shalt  }
0x55: {  	_ =	shalt  }
0x56: {  	_ =	shalt  }
0x57: {  	_ =	shalt  }
0x58: {  	_ =	shalt  }
0x59: {  	_ =	shalt  }
0x5a: {  	_ =	shalt  }
0x5b: {  	_ =	shalt  }
0x5c: {  	_ =	shalt  }
0x5d: {  	_ =	shalt  }
0x5e: {  	_ =	shalt  }
0x5f: {  	_ =	shalt  }
0x60: {  	_ =	shalt  }
0x61: {  	_ =	shalt  }
0x62: {  	_ =	shalt  }
0x63: {  	_ =	shalt  }
0x64: {  	_ =	shalt  }
0x65: {  	_ =	shalt  }
0x66: {  	_ =	shalt  }
0x67: {  	_ =	shalt  }
0x68: {  	_ =	shalt  }
0x69: {  	_ =	shalt  }
0x6a: {  	_ =	shalt  }
0x6b: {  	_ =	shalt  }
0x6c: {  	_ =	shalt  }
0x6d: {  	_ =	shalt  }
0x6e: {  	_ =	shalt  }
0x6f: {  	_ =	shalt  }
0x70: {  	_ =	shalt  }
0x71: {  	_ =	shalt  }
0x72: {  	_ =	shalt  }
0x73: {  	_ =	shalt  }
0x74: {  	_ =	shalt  }
0x75: {  	_ =	shalt  }
0x76: {  	_ =	shalt  }
0x77: {  	_ =	shalt  }
0x78: {  	_ =	shalt  }
0x79: {  	_ =	shalt  }
0x7a: {  	_ =	shalt  }
0x7b: {  	_ =	shalt  }
0x7c: {  	_ =	shalt  }
0x7d: {  	_ =	shalt  }
0x7e: {  	_ =	shalt  }
0x7f: {  	_ =	shalt  }
0x80: {  	_ =	shalt  }
0x81: {  	_ =	shalt  }
0x82: {  	_ =	shalt  }
0x83: {  	_ =	shalt  }
0x84: {  	_ =	shalt  }
0x85: {  	_ =	shalt  }
0x86: {  	_ =	shalt  }
0x87: {  	_ =	shalt  }
.Lfunc_end0:
.L_simem_size_0:
called_computation.1_lowered:
.L_overlay_start_0:
0x88: {  	s2 =	sld [smem:$0x3FD9]  }
0x89: {  	s3 =	sld [smem:$0x3FFE];
	_ =	sdelay $0x1  }
0x8a: {  	s1 =	srdreg.scid  }
0x8b: {  	s0 =	sand.u32 $0x1, s1  }
0x8c: {  	s17 =	sshll.u32 s0, $0xA;
	s2 =	sadd.s32 s3, s2  }
0x8d: {  	s2 =	sadd.s32 s2, s17  }
0x8e: {  	[smem:$0x3FBA] =	sst s2  }
0x8f: {  	_ = 	snop  }
0x90: {  	s2 =	sld [smem:$0x3FD0];
	(tm) =	ssettm $0x1  }
0x91: {  	s18 =	sld [smem:$0x3FFB];
	_ =	sdelay $0x3  }
0x92: {  	_ =	strace s18  }
0x93: {  	s3 =	sld [smem:$0x3FFC];
	_ =	sdelay $0x3  }
0x94: {  	_ =	strace s3  }
0x95: {  	s3 =	sld [smem:$0x3FFD];
	_ =	sdelay $0x3  }
0x96: {  	_ =	strace s3  }
0x97: {  	_ =	strace $0x8FFFFFFF  }
0x98: {  	s19 =	sld [smem:$0x3FDB];
	_ =	sdelay $0x1  }
0x99: {  	s4 =	simm.s32 $_scs_section_size  }
0x9a: {  	s5 =	simm.s32 $_size__tile_overlayer_lowered;
	s6 =	simm.s32 $_tile_overlayer_lowered  }
0x9b: {  	s22 =	simm.s32 $0x1BFF;
	s21 =	sshll.u32 s6, $0x1;
	s3 =	sadd.s32 s4, s19  }
0x9c: {  	s7 =	simm.s32 $0x0;
	s20 =	sshll.u32 s5, $0x1;
	s5 =	sadd.s32 s21, s3  }
0x9d: {  	[timem:s7], [sflag:s22] =	dma.local [hbm:s5], s20  }
0x9e: {  	_ =	swait.ge [sflag:s22], s20  }
0x9f: {  	s4 =	ssub.s32 $0x0, s20;
	[sflag:s22] =	ssyncset.done $0x0  }
0xa0: {  	[sflag:s22] =	ssyncadd.s32 s4;
	_ =	sdelay $0x1  }
0xa1: {  	s23 =	simm.s32 $0x1B8B  }
0xa2: {  	_ =	swait.ge [sflag:s23], $0x1  }
0xa3: {  	[sflag:s23] =	ssyncset.done $0x0  }
0xa4: {  	s25 =	simm.s32 $0x1B8E;
	s24 =	sld [smem:$0x3FFE];
	[sflag:s23] =	ssyncadd.s32 $0xFFFFFFFF  }
0xa5: {  	s26 =	simm.s32 $execute0_lowered;
	[smem:$0x3FD2] =	sst s25  }
0xa6: {  	s5 =	sshll.u32 s26, $0x1;
	_ =	strace $0x80000049;
	[dreg:$0x1] =	wrdreg $0xFFFFFFFF  }
0xa7: {  	s28 =	simm.s32 $_size_execute0_lowered;
	s3 =	sadd.s32 s3, s5;
	[dreg:$0x0] =	wrdreg $0x0  }
0xa8: {  	s5 =	sshll.u32 s28, $0x1;
	[dreg:$0x2] =	wrdreg s3  }
0xa9: {  	[dreg:$0x3] =	wrdreg s5  }
0xaa: {  	[dreg:$0x4] =	wrdreg $0xC0  }
0xab: {  	_ =	task [dreg:s7], $0x5FFFF  }
0xac: {  	[dreg:$0x1] =	wrdreg $0xFFFFFFFF  }
0xad: {  	[dreg:$0x0] =	wrdreg $0x60  }
0xae: {  	[dreg:$0x2] =	wrdreg s2  }
0xaf: {  	[dreg:$0x3] =	wrdreg s24  }
0xb0: {  	[dreg:$0x4] =	wrdreg $0xA8000  }
0xb1: {  	[dreg:$0x5] =	wrdreg $0x9  }
0xb2: {  	_ =	task.clear_ibuf [dreg:s7], $0x6FFFF;
	_ =	strace $0x90000049  }
0xb3: {  	s29 =	simm.s32 $0x9;
	_ =	strace $0x8000004B  }
0xb4: {  	_ =	swait.ge [sflag:s29], $0x1  }
0xb5: {  	[sflag:s29] =	ssyncadd.s32 $0xFFFFFFFF  }
0xb6: {  	_ =	strace $0x9000004B  }
0xb7: {  	_ =	sfence  }
0xb8: {  	s30 =	sld [smem:$0x0];
	_ =	sdelay $0x2  }
0xb9: {  	s31 =	sshll.u32 s1, $0xD;
	s1 =	sshrl.u32 s1, $0x2  }
0xba: {  	s3 =	sand.u32 $0x4000, s31;
	s1 =	sadd.s32 s1, s30  }
0xbb: {  	s0 =	sor.u32 s3, s0;
	s1 =	sshll.u32 s1, $0x11  }
0xbc: {  	s0 =	sor.u32 s1, s0  }
0xbd: {  	s0 =	sadd.s32 $0x8F2B, s0  }
0xbe: {  	[sflag:s0] =	ssyncadd.remote.s32 $0x1  }
0xbf: {  	_ =	sfence.sel $0xFFFF  }
0xc0: {  	[dreg:$0x0] =	wrdreg $0xFFFFFFFF;
	(pc) =	sbr.abs _section_cstart, $3  }
0xc1: {  	[dreg:$0x1] =	wrdreg $0xFFFFFFFF  }
0xc2: {  	_ =	task.clear_ibuf [dreg:s7], $0x2FFFF;
	_ =	strace $0x9FFFFFFF  }
0xc3: {  	(tm) =	ssettm $0x7FFFFFFF  }
tec
execute0_lowered:
.L_overlay_start_1:
0x0: {  	(tag) =	ssettag $0x1  }
0x1: {  	s1 =	rddreg [dreg:$0x0]  }
0x2: {  	s6 =	rddreg [dreg:$0x1]  }
0x3: {  	s2 =	rddreg [dreg:$0x2]  }
0x4: {  	s3 =	srdreg.scid;
	s0 =	rddreg [dreg:$0x3]  }
0x5: {  	s4 =	simm.s32 $0x0;
	s14 =	simm.s32 $0x50;
	s15 =	simm.s32 $0x8000  }
0x6: {  	s16 =	simm.s32 $0x0;
	s5 =	sand.u32 $0x1, s3;
	s3 =	stileid.u32  }
0x7: {  	[smem:$0x7FF] =	sst s4;
	s7 =	smul.u32 $0x140000, s5;
	s8 =	sshll.u32 s3, $0xC  }
0x8: {  	s9 =	sshll.u32 s5, $0xB;
	s10 =	smul.u32 $0x14000, s3;
	_ =	strace $0x8000004A  }
0x9: {  	s26 =	ssub.s32 $0x2, s5;
	s28 =	smul.u32 $0x50000, s3;
	s5 =	sadd.s32 $0x24800, s6  }
0xa: {  	s31 =	sshll.u32 s3, $0x6;
	s8 =	sor.u32 s9, s8;
	s29 =	sshrl.u32 s26, $0x1  }
0xb: {  	s8 =	sadd.s32 s8, s6;
	s7 =	sadd.s32 s10, s7;
	s30 =	sshrl.u32 s28, $0x2  }
0xc: {  	s12 =	ssub.s32 s26, s29;
	s7 =	sshrl.u32 s7, $0x3;
	s13 =	sadd.s32 s30, s2  }
0xd: {  	s10 =	smax.u32 s12, $0x1;
	s12 =	simm.s32 $0x1;
	s11 =	sadd.s32 s7, s6  }
0xe: {  	s6 =	sor.u32 $0x1C01, s31;
	s7 =	sadd.s32 $0x4800, s8;
	s8 =	sadd.s32 $0x14800, s8  }
0xf: {  	s9 =	sadd.s32 $0x4E200, s11;
	s11 =	sshrl.u32 s13, $0x3;
	s13 =	simm.s32 $0x4000  }
.LBB2_1:
0x10: {  	[spmem:s11], [sflag:s6] =	dma.local [hbm:s5], $0x2800  }
0x11: {  	_ =	swait.ge [sflag:s12], $0x2800  }
0x12: {  	[sflag:s12] =	ssyncset.done $0x0  }
0x13: {  	[sflag:s12] =	ssyncadd.s32 $0xFFFFD800  }
0x14: {  	[tilespmem:s4], [sflag:$0x1] =	stream.linear.gather [hbm4b:s7+s4], $0x3E80, $0x38;
	[tilespmem:$0x1E800] =	vst v63  }
0x15: {  	_ =	swait.ge [sflag:s12], $0x3E80  }
0x16: {  	[sflag:s12] =	ssyncset.done $0x0  }
0x17: {  	[sflag:s12] =	ssyncadd.s32 $0xFFFFC180  }
0x18: {  	[tilespmem:s13], [sflag:$0x1] =	stream.linear.gather [hbm4b:s8+s4], $0x3E80, $0x38;
	[tilespmem:$0x1E800] =	vst v63  }
0x19: {  	_ =	swait.ge [sflag:s12], $0x3E80  }
0x1a: {  	[sflag:s12] =	ssyncset.done $0x0  }
0x1b: {  	[sflag:s12] =	ssyncadd.s32 $0xFFFFC180  }
0x1c: {  	s17 =	simm.s32 $0x0;
	[bflag:$0x0] =	sbarrier.arrive $0xFFFF  }
0x1d: {  	[tilespmem:s15], [sflag:$0x1] =	stream.indirect.gather [hbm4b:s1+s14], $0x80, s17, s14, $0xb8;
	[tilespmem:$0x1E800] =	vst v63  }
0x1e: {  	_ =	swait.ge [sflag:s12], $0x2800  }
0x1f: {  	[sflag:s12] =	ssyncset.done $0x0  }
0x20: {  	s31 =	simm.s32 $0x4000;
	[sflag:s12] =	ssyncadd.s32 $0xFFFFD800  }
0x21: {  	[spmem:s2] =	stream.indirect.scatter.add.f32 [tilespmem:s15], [sflag:$0x1], $0x80, s31, s14, $0xb8;
	[tilespmem:$0x1E800] =	vst v63  }
0x22: {  	_ =	swait.ge [sflag:s12], $0x2800  }
0x23: {  	s18 =	simm.s32 $0x400;
	s17 =	simm.s32 $0x200;
	[sflag:s12] =	ssyncset.done $0x0  }
.LBB2_2:
0x24: {  	s19 =	sshra.s32 s17, $0x2  }
0x25: {  	[sflag:s12] =	ssyncadd.s32 $0xFFFFD800;
	s17 =	smov.u32 s18;
	s20 =	sadd.s32 $0x200, s18  }
0x26: {  	[tilespmem:s15], [sflag:$0x1] =	stream.indirect.gather [hbm4b:s1+s14], $0x80, s19, s14, $0xb8;
	[tilespmem:$0x1E800] =	vst v63  }
0x27: {  	p0 =	sne.s32 s18, $0xF800;
	_ =	swait.ge [sflag:s12], $0x2800  }
.Ltmp0:
0x28: {  	[sflag:s12] =	ssyncset.done $0x0;
	(pc) =	sbr.rel @p0 .LBB2_2-.Ltmp0, $4  }
0x29: {  	s18 =	sadd.s32 $0x4000, s19;
	[sflag:s12] =	ssyncadd.s32 $0xFFFFD800  }
0x2a: {  	[spmem:s2] =	stream.indirect.scatter.add.f32 [tilespmem:s15], [sflag:$0x1], $0x80, s18, s14, $0xb8;
	[tilespmem:$0x1E800] =	vst v63  }
0x2b: {  	_ =	swait.ge [sflag:s12], $0x2800  }
0x2c: {  	s18 =	smov.u32 s20;
	[sflag:s12] =	ssyncset.done $0x0  }
0x2d: {  	s17 =	sshra.s32 s17, $0x2;
	[sflag:s12] =	ssyncadd.s32 $0xFFFFD800  }
0x2e: {  	[tilespmem:s15], [sflag:$0x1] =	stream.indirect.gather [hbm4b:s1+s14], $0x80, s17, s14, $0xb8;
	[tilespmem:$0x1E800] =	vst v63  }
0x2f: {  	_ =	swait.ge [sflag:s12], $0x2800  }
0x30: {  	[sflag:s12] =	ssyncset.done $0x0  }
0x31: {  	s17 =	sadd.s32 $0x4000, s17;
	[sflag:s12] =	ssyncadd.s32 $0xFFFFD800  }
0x32: {  	[spmem:s2] =	stream.indirect.scatter.add.f32 [tilespmem:s15], [sflag:$0x1], $0x80, s17, s14, $0xb8;
	[tilespmem:$0x1E800] =	vst v63  }
0x33: {  	_ =	swait.ge [sflag:s12], $0x2800  }
0x34: {  	s16 =	sadd.s32 $0x1, s16;
	[sflag:s12] =	ssyncset.done $0x0  }
0x35: {  	p0 =	sne.s32 s16, s10;
	[sflag:s12] =	ssyncadd.s32 $0xFFFFD800  }
.Ltmp1:
0x36: {  	[bflag:$0x0] =	sbarrier.arrive $0xFFFF;
	(pc) =	sbr.rel @p0 .LBB2_1-.Ltmp1, $4  }
0x37: {  	[hbm:s9], [sflag:s6] =	dma.local [spmem:s11], $0x2800  }
0x38: {  	_ =	swait.ge [sflag:s12], $0x2800  }
0x39: {  	[sflag:s12] =	ssyncset.done $0x0  }
0x3a: {  	[sflag:s12] =	ssyncadd.s32 $0xFFFFD800  }
0x3b: {  	_ =	sfence.sel $0x180000  }
0x3c: {  	[bflag:$0x0] =	sbarrier.arrive $0xFFFF  }
0x3d: {  	p0 =	sne.s32 s3, $0x0;
	_ =	strace $0x9000004A  }
0x3e: {  	s0 =	sadd.s32 @!p0 $0x100000, s0;
	[bflag:$0x2] =	sbarrier.arrive $0xFFFF  }
0x3f: {  	[sflag:s0] =	ssyncadd.tile.s32 @!p0 $0x1;
	_ =	shalt  }
.Lfunc_end2:
_tile_overlayer_lowered:
.L_overlay_start_2:
0x40: {  	(tag) =	ssettag $0x2  }
0x41: {  	s0 =	rddreg [dreg:$0x0];
	s2 =	stileid.u32  }
0x42: {  	s1 =	rddreg [dreg:$0x1];
	p0 =	sne.s32 s2, $0x0  }
0x43: {  	s3 =	rddreg [dreg:$0x2];
	[bflag:$0x3] =	sbarrier.arrive $0xFFFF;
	s2 =	simm.s32 @!p0 $0x1C01  }
0x44: {  	[timem:s3], [sflag:s2] =	dma.local @!p0 [hbm:s0], s1  }
0x45: {  	s0 =	simm.s32 @!p0 $0x1  }
0x46: {  	_ =	swait.ge @!p0 [sflag:s0], s1  }
0x47: {  	s1 =	ssub.s32 @!p0 $0x0, s1;
	[sflag:s0] =	ssyncset.done @!p0 $0x0  }
0x48: {  	[sflag:s0] =	ssyncadd.s32 @!p0 s1  }
0x49: {  	[bflag:$0x3] =	sbarrier.arrive $0xFFFF  }
0x4a: {  	_ =	shalt  }

// kernel: kernel.16.cloned.1.call-start
scs
__scs_entry_jumppad:
0x0: {  	(pc) =	sbr.rel $0x88, $3  }
0x1: {  	(tag) =	ssettag $0x0;
	lr =	simm.s32 $0x1  }
0x2: {  	[smem:$0x3F93] =	sst lr;
	_ =	strace $0xD0000000  }
0x3: {  	_ = 	snop  }
0x4: {  	_ = 	snop  }
0x5: {  	_ = 	snop  }
0x6: {  	_ = 	snop  }
0x7: {  	_ = 	snop  }
__scs_overlays_trampoline_lowered:
0x8: {  	[smem:$0x3FA2] =	sst s0  }
0x9: {  	[smem:$0x3FA3] =	sst s1  }
0xa: {  	[smem:$0x3FA4] =	sst s2  }
0xb: {  	[smem:$0x3FA5] =	sst s3  }
0xc: {  	[smem:$0x3FA6] =	sst s4  }
0xd: {  	[smem:$0x3FA7] =	sst s5  }
0xe: {  	[smem:$0x3FA8] =	sst s6  }
0xf: {  	[smem:$0x3FA9] =	sst s7  }
0x10: {  	[smem:$0x3FAA] =	sst s8  }
0x11: {  	[smem:$0x3FAB] =	sst s9;
	s0 =	simm.s32 @!p0 $0x0  }
0x12: {  	s1 =	sld [smem:$0x3F91];
	s0 =	simm.s32 @p0 $0x1  }
0x13: {  	[smem:$0x3FAC] =	sst s0;
	s0 =	simm.s32 @!p1 $0x0  }
0x14: {  	s2 =	sld [smem:$0x3F90];
	s0 =	simm.s32 @p1 $0x1  }
0x15: {  	[smem:$0x3FAD] =	sst s0;
	s0 =	simm.s32 @!p2 $0x0  }
0x16: {  	s3 =	sld [smem:$0x3FDB];
	s0 =	simm.s32 @p2 $0x1  }
0x17: {  	s4 =	simm.s32 $0x1BF5;
	[smem:$0x3FAF] =	sst s0  }
0x18: {  	s0 =	sld [smem:$0x3F92];
	_ =	swait.ge [sflag:s4], $0x0  }
0x19: {  	s7 =	sld [smem:$0x3F93]  }
0x1a: {  	s8 =	sadd.s32 $0xFFFFE003, lr  }
0x1b: {  	s9 =	sadd.s32 $0xFFFFFEF7, lr;
	s5 =	simm.s32 $0xFFFFFFFF;
	p2 =	slt.u32 s8, $0xFFFFF086  }
0x1c: {  	p1 =	slt.u32 s9, $0xF7A;
	s5 =	simm.s32 @!p2 $0x0  }
0x1d: {  	s5 =	simm.s32 @p1 $0x1;
	p0 =	seq.s32 s7, s2  }
0x1e: {  	s7 =	smul.u32 @!p0 $0xF7A, s2;
	p2 =	seq.s32 @!p0 s5, $0x0  }
0x1f: {  	s9 =	smul.u32 $0xF7A, s1;
	s8 =	simm.s32 @!p0 $0x1BF5;
	p2 =	por !p2, p0  }
0x20: {  	[sflag:s8] =	ssyncset.s32 @!p0 $0xFFFFF086;
	s6 =	sadd.s32 @!p0 s3, s7;
	s7 =	simm.s32 @!p0 $0x108  }
0x21: {  	s3 =	sadd.s32 s3, s9;
	s6 =	sadd.s32 @!p0 $0x88, s6;
	s7 =	simm.s32 @p2 $0x1082  }
0x22: {  	[simem:s7], [sflag:s8] =	dma.local @!p0 [hbm:s6], $0xF7A  }
0x23: {  	s9 =	sor.u32 $0xD0000000, s2;
	s6 =	simm.s32 $0x108;
	_ =	swait.ge @!p0 [sflag:s8], $0x0  }
0x24: {  	s3 =	sadd.s32 $0x88, s3;
	s6 =	simm.s32 @!p1 $0x1082;
	[sflag:s4] =	ssyncset.s32 $0xFFFFF086  }
0x25: {  	[simem:s6], [sflag:s4] =	dma.local [hbm:s3], $0xF7A  }
0x26: {  	[smem:$0x3F93] =	sst s1;
	(tag) =	ssettag s2;
	_ =	strace s9  }
0x27: {  	s1 =	sld [smem:$0x3FA3]  }
0x28: {  	s2 =	sld [smem:$0x3FA4]  }
0x29: {  	s4 =	sld [smem:$0x3FA6]  }
0x2a: {  	p0 =	seq.s32 s5, $0x0;
	s5 =	sld [smem:$0x3FA7]  }
0x2b: {  	s6 =	sld [smem:$0x3FA8]  }
0x2c: {  	s7 =	sld [smem:$0x3FA9]  }
0x2d: {  	s3 =	simm.s32 $0x108;
	s8 =	sld [smem:$0x3FAA]  }
0x2e: {  	s3 =	simm.s32 @!p0 $0x1082;
	s9 =	sld [smem:$0x3FAB]  }
0x2f: {  	lr =	sadd.s32 s0, s3;
	s0 =	sld [smem:$0x3FA2]  }
0x30: {  	s3 =	sld [smem:$0x3FA5]  }
0x31: {  	[smem:$0x3FAE] =	sst s10  }
0x32: {  	s10 =	sld [smem:$0x3FAC];
	_ =	sdelay $0x3  }
0x33: {  	p0 =	seq.s32 s10, $0x1;
	s10 =	sld [smem:$0x3FAE];
	_ =	sdelay $0x3  }
0x34: {  	[smem:$0x3FAE] =	sst s10  }
0x35: {  	s10 =	sld [smem:$0x3FAD];
	_ =	sdelay $0x3  }
0x36: {  	p1 =	seq.s32 s10, $0x1;
	s10 =	sld [smem:$0x3FAE];
	_ =	sdelay $0x3  }
0x37: {  	[smem:$0x3FAE] =	sst s10  }
0x38: {  	s10 =	sld [smem:$0x3FAF]  }
0x39: {  	_ = 	snop;
	(pc) =	sbr.ind lr, $3  }
0x3a: {  	_ = 	snop  }
0x3b: {  	_ = 	snop  }
0x3c: {  	p2 =	seq.s32 s10, $0x1;
	s10 =	sld [smem:$0x3FAE]  }
0x3d: {  	_ =	shalt  }
0x3e: {  	_ =	shalt  }
0x3f: {  	_ =	shalt  }
0x40: {  	_ =	shalt  }
0x41: {  	_ =	shalt  }
0x42: {  	_ =	shalt  }
0x43: {  	_ =	shalt  }
0x44: {  	_ =	shalt  }
0x45: {  	_ =	shalt  }
0x46: {  	_ =	shalt  }
0x47: {  	_ =	shalt  }
0x48: {  	_ =	shalt  }
0x49: {  	_ =	shalt  }
0x4a: {  	_ =	shalt  }
0x4b: {  	_ =	shalt  }
0x4c: {  	_ =	shalt  }
0x4d: {  	_ =	shalt  }
0x4e: {  	_ =	shalt  }
0x4f: {  	_ =	shalt  }
0x50: {  	_ =	shalt  }
0x51: {  	_ =	shalt  }
0x52: {  	_ =	shalt  }
0x53: {  	_ =	shalt  }
0x54: {  	_ =	shalt  }
0x55: {  	_ =	shalt  }
0x56: {  	_ =	shalt  }
0x57: {  	_ =	shalt  }
0x58: {  	_ =	shalt  }
0x59: {  	_ =	shalt  }
0x5a: {  	_ =	shalt  }
0x5b: {  	_ =	shalt  }
0x5c: {  	_ =	shalt  }
0x5d: {  	_ =	shalt  }
0x5e: {  	_ =	shalt  }
0x5f: {  	_ =	shalt  }
0x60: {  	_ =	shalt  }
0x61: {  	_ =	shalt  }
0x62: {  	_ =	shalt  }
0x63: {  	_ =	shalt  }
0x64: {  	_ =	shalt  }
0x65: {  	_ =	shalt  }
0x66: {  	_ =	shalt  }
0x67: {  	_ =	shalt  }
0x68: {  	_ =	shalt  }
0x69: {  	_ =	shalt  }
0x6a: {  	_ =	shalt  }
0x6b: {  	_ =	shalt  }
0x6c: {  	_ =	shalt  }
0x6d: {  	_ =	shalt  }
0x6e: {  	_ =	shalt  }
0x6f: {  	_ =	shalt  }
0x70: {  	_ =	shalt  }
0x71: {  	_ =	shalt  }
0x72: {  	_ =	shalt  }
0x73: {  	_ =	shalt  }
0x74: {  	_ =	shalt  }
0x75: {  	_ =	shalt  }
0x76: {  	_ =	shalt  }
0x77: {  	_ =	shalt  }
0x78: {  	_ =	shalt  }
0x79: {  	_ =	shalt  }
0x7a: {  	_ =	shalt  }
0x7b: {  	_ =	shalt  }
0x7c: {  	_ =	shalt  }
0x7d: {  	_ =	shalt  }
0x7e: {  	_ =	shalt  }
0x7f: {  	_ =	shalt  }
0x80: {  	_ =	shalt  }
0x81: {  	_ =	shalt  }
0x82: {  	_ =	shalt  }
0x83: {  	_ =	shalt  }
0x84: {  	_ =	shalt  }
0x85: {  	_ =	shalt  }
0x86: {  	_ =	shalt  }
0x87: {  	_ =	shalt  }
.Lfunc_end0:
.L_simem_size_0:
called_computation.2_lowered:
.L_overlay_start_0:
0x88: {  	s2 =	sld [smem:$0x3FD9]  }
0x89: {  	s3 =	sld [smem:$0x3FFE];
	_ =	sdelay $0x1  }
0x8a: {  	s1 =	srdreg.scid  }
0x8b: {  	s0 =	sand.u32 $0x1, s1  }
0x8c: {  	s17 =	sshll.u32 s0, $0xA;
	s2 =	sadd.s32 s3, s2  }
0x8d: {  	s2 =	sadd.s32 s2, s17  }
0x8e: {  	[smem:$0x3FBA] =	sst s2  }
0x8f: {  	_ = 	snop  }
0x90: {  	s2 =	sld [smem:$0x3FD0];
	(tm) =	ssettm $0x1  }
0x91: {  	s18 =	sld [smem:$0x3FFB];
	_ =	sdelay $0x3  }
0x92: {  	_ =	strace s18  }
0x93: {  	s3 =	sld [smem:$0x3FFC];
	_ =	sdelay $0x3  }
0x94: {  	_ =	strace s3  }
0x95: {  	s3 =	sld [smem:$0x3FFD];
	_ =	sdelay $0x3  }
0x96: {  	_ =	strace s3  }
0x97: {  	_ =	strace $0x8FFFFFFF  }
0x98: {  	s19 =	sld [smem:$0x3FDB];
	_ =	sdelay $0x1  }
0x99: {  	s4 =	simm.s32 $_scs_section_size  }
0x9a: {  	s5 =	simm.s32 $_size__tile_overlayer_lowered;
	s6 =	simm.s32 $_tile_overlayer_lowered  }
0x9b: {  	s22 =	simm.s32 $0x1BFF;
	s21 =	sshll.u32 s6, $0x1;
	s3 =	sadd.s32 s4, s19  }
0x9c: {  	s7 =	simm.s32 $0x0;
	s20 =	sshll.u32 s5, $0x1;
	s5 =	sadd.s32 s21, s3  }
0x9d: {  	[timem:s7], [sflag:s22] =	dma.local [hbm:s5], s20  }
0x9e: {  	_ =	swait.ge [sflag:s22], s20  }
0x9f: {  	s4 =	ssub.s32 $0x0, s20;
	[sflag:s22] =	ssyncset.done $0x0  }
0xa0: {  	[sflag:s22] =	ssyncadd.s32 s4;
	_ =	sdelay $0x1  }
0xa1: {  	s23 =	simm.s32 $0x1B8B  }
0xa2: {  	_ =	swait.ge [sflag:s23], $0x1  }
0xa3: {  	[sflag:s23] =	ssyncset.done $0x0  }
0xa4: {  	s25 =	simm.s32 $0x1B8E;
	s24 =	sld [smem:$0x3FFE];
	[sflag:s23] =	ssyncadd.s32 $0xFFFFFFFF  }
0xa5: {  	s26 =	simm.s32 $execute0_lowered;
	[smem:$0x3FD2] =	sst s25  }
0xa6: {  	s5 =	sshll.u32 s26, $0x1;
	_ =	strace $0x8000004C;
	[dreg:$0x1] =	wrdreg $0xFFFFFFFF  }
0xa7: {  	s28 =	simm.s32 $_size_execute0_lowered;
	s3 =	sadd.s32 s3, s5;
	[dreg:$0x0] =	wrdreg $0x0  }
0xa8: {  	s5 =	sshll.u32 s28, $0x1;
	[dreg:$0x2] =	wrdreg s3  }
0xa9: {  	[dreg:$0x3] =	wrdreg s5  }
0xaa: {  	[dreg:$0x4] =	wrdreg $0xC0  }
0xab: {  	_ =	task [dreg:s7], $0x5FFFF  }
0xac: {  	[dreg:$0x1] =	wrdreg $0xFFFFFFFF  }
0xad: {  	[dreg:$0x0] =	wrdreg $0x60  }
0xae: {  	[dreg:$0x2] =	wrdreg s2  }
0xaf: {  	[dreg:$0x3] =	wrdreg s24  }
0xb0: {  	[dreg:$0x4] =	wrdreg $0xA8000  }
0xb1: {  	[dreg:$0x5] =	wrdreg $0x9  }
0xb2: {  	_ =	task.clear_ibuf [dreg:s7], $0x6FFFF;
	_ =	strace $0x9000004C  }
0xb3: {  	s29 =	simm.s32 $0x9;
	_ =	strace $0x8000004E  }
0xb4: {  	_ =	swait.ge [sflag:s29], $0x1  }
0xb5: {  	[sflag:s29] =	ssyncadd.s32 $0xFFFFFFFF  }
0xb6: {  	_ =	strace $0x9000004E  }
0xb7: {  	_ =	sfence  }
0xb8: {  	s30 =	sld [smem:$0x0];
	_ =	sdelay $0x2  }
0xb9: {  	s31 =	sshll.u32 s1, $0xD;
	s1 =	sshrl.u32 s1, $0x2  }
0xba: {  	s3 =	sand.u32 $0x4000, s31;
	s1 =	sadd.s32 s1, s30  }
0xbb: {  	s0 =	sor.u32 s3, s0;
	s1 =	sshll.u32 s1, $0x11  }
0xbc: {  	s0 =	sor.u32 s1, s0  }
0xbd: {  	s0 =	sadd.s32 $0x8F2B, s0  }
0xbe: {  	[sflag:s0] =	ssyncadd.remote.s32 $0x1  }
0xbf: {  	_ =	sfence.sel $0xFFFF  }
0xc0: {  	[dreg:$0x0] =	wrdreg $0xFFFFFFFF;
	(pc) =	sbr.abs _section_cstart, $3  }
0xc1: {  	[dreg:$0x1] =	wrdreg $0xFFFFFFFF  }
0xc2: {  	_ =	task.clear_ibuf [dreg:s7], $0x2FFFF;
	_ =	strace $0x9FFFFFFF  }
0xc3: {  	(tm) =	ssettm $0x7FFFFFFF  }
tec
execute0_lowered:
.L_overlay_start_1:
0x0: {  	(tag) =	ssettag $0x1  }
0x1: {  	s1 =	rddreg [dreg:$0x0]  }
0x2: {  	s6 =	rddreg [dreg:$0x1]  }
0x3: {  	s2 =	rddreg [dreg:$0x2]  }
0x4: {  	s3 =	srdreg.scid;
	s0 =	rddreg [dreg:$0x3]  }
0x5: {  	s4 =	simm.s32 $0x0;
	s14 =	simm.s32 $0x50;
	s15 =	simm.s32 $0x8000  }
0x6: {  	s16 =	simm.s32 $0x0;
	s5 =	sand.u32 $0x1, s3;
	s3 =	stileid.u32  }
0x7: {  	[smem:$0x7FF] =	sst s4;
	s7 =	smul.u32 $0x140000, s5;
	s8 =	sshll.u32 s3, $0xC  }
0x8: {  	s9 =	sshll.u32 s5, $0xB;
	s10 =	smul.u32 $0x14000, s3;
	_ =	strace $0x8000004D  }
0x9: {  	s26 =	ssub.s32 $0x2, s5;
	s28 =	smul.u32 $0x50000, s3;
	s5 =	sadd.s32 $0x24800, s6  }
0xa: {  	s31 =	sshll.u32 s3, $0x6;
	s8 =	sor.u32 s9, s8;
	s29 =	sshrl.u32 s26, $0x1  }
0xb: {  	s8 =	sadd.s32 s8, s6;
	s7 =	sadd.s32 s10, s7;
	s30 =	sshrl.u32 s28, $0x2  }
0xc: {  	s12 =	ssub.s32 s26, s29;
	s7 =	sshrl.u32 s7, $0x3;
	s13 =	sadd.s32 s30, s2  }
0xd: {  	s10 =	smax.u32 s12, $0x1;
	s12 =	simm.s32 $0x1;
	s11 =	sadd.s32 s7, s6  }
0xe: {  	s6 =	sor.u32 $0x1C01, s31;
	s7 =	sadd.s32 $0x4800, s8;
	s8 =	sadd.s32 $0x14800, s8  }
0xf: {  	s9 =	sadd.s32 $0x4E200, s11;
	s11 =	sshrl.u32 s13, $0x3;
	s13 =	simm.s32 $0x4000  }
.LBB2_1:
0x10: {  	[spmem:s11], [sflag:s6] =	dma.local [hbm:s5], $0x2800  }
0x11: {  	_ =	swait.ge [sflag:s12], $0x2800  }
0x12: {  	[sflag:s12] =	ssyncset.done $0x0  }
0x13: {  	[sflag:s12] =	ssyncadd.s32 $0xFFFFD800  }
0x14: {  	[tilespmem:s4], [sflag:$0x1] =	stream.linear.gather [hbm4b:s7+s4], $0x3E80, $0x38;
	[tilespmem:$0x1E800] =	vst v63  }
0x15: {  	_ =	swait.ge [sflag:s12], $0x3E80  }
0x16: {  	[sflag:s12] =	ssyncset.done $0x0  }
0x17: {  	[sflag:s12] =	ssyncadd.s32 $0xFFFFC180  }
0x18: {  	[tilespmem:s13], [sflag:$0x1] =	stream.linear.gather [hbm4b:s8+s4], $0x3E80, $0x38;
	[tilespmem:$0x1E800] =	vst v63  }
0x19: {  	_ =	swait.ge [sflag:s12], $0x3E80  }
0x1a: {  	[sflag:s12] =	ssyncset.done $0x0  }
0x1b: {  	[sflag:s12] =	ssyncadd.s32 $0xFFFFC180  }
0x1c: {  	s17 =	simm.s32 $0x0;
	[bflag:$0x0] =	sbarrier.arrive $0xFFFF  }
0x1d: {  	[tilespmem:s15], [sflag:$0x1] =	stream.indirect.gather [hbm4b:s1+s14], $0x80, s17, s14, $0xb8;
	[tilespmem:$0x1E800] =	vst v63  }
0x1e: {  	_ =	swait.ge [sflag:s12], $0x2800  }
0x1f: {  	[sflag:s12] =	ssyncset.done $0x0  }
0x20: {  	s31 =	simm.s32 $0x4000;
	[sflag:s12] =	ssyncadd.s32 $0xFFFFD800  }
0x21: {  	[spmem:s2] =	stream.indirect.scatter.add.f32 [tilespmem:s15], [sflag:$0x1], $0x80, s31, s14, $0xb8;
	[tilespmem:$0x1E800] =	vst v63  }
0x22: {  	_ =	swait.ge [sflag:s12], $0x2800  }
0x23: {  	s18 =	simm.s32 $0x400;
	s17 =	simm.s32 $0x200;
	[sflag:s12] =	ssyncset.done $0x0  }
.LBB2_2:
0x24: {  	s19 =	sshra.s32 s17, $0x2  }
0x25: {  	[sflag:s12] =	ssyncadd.s32 $0xFFFFD800;
	s17 =	smov.u32 s18;
	s20 =	sadd.s32 $0x200, s18  }
0x26: {  	[tilespmem:s15], [sflag:$0x1] =	stream.indirect.gather [hbm4b:s1+s14], $0x80, s19, s14, $0xb8;
	[tilespmem:$0x1E800] =	vst v63  }
0x27: {  	p0 =	sne.s32 s18, $0xF800;
	_ =	swait.ge [sflag:s12], $0x2800  }
.Ltmp0:
0x28: {  	[sflag:s12] =	ssyncset.done $0x0;
	(pc) =	sbr.rel @p0 .LBB2_2-.Ltmp0, $4  }
0x29: {  	s18 =	sadd.s32 $0x4000, s19;
	[sflag:s12] =	ssyncadd.s32 $0xFFFFD800  }
0x2a: {  	[spmem:s2] =	stream.indirect.scatter.add.f32 [tilespmem:s15], [sflag:$0x1], $0x80, s18, s14, $0xb8;
	[tilespmem:$0x1E800] =	vst v63  }
0x2b: {  	_ =	swait.ge [sflag:s12], $0x2800  }
0x2c: {  	s18 =	smov.u32 s20;
	[sflag:s12] =	ssyncset.done $0x0  }
0x2d: {  	s17 =	sshra.s32 s17, $0x2;
	[sflag:s12] =	ssyncadd.s32 $0xFFFFD800  }
0x2e: {  	[tilespmem:s15], [sflag:$0x1] =	stream.indirect.gather [hbm4b:s1+s14], $0x80, s17, s14, $0xb8;
	[tilespmem:$0x1E800] =	vst v63  }
0x2f: {  	_ =	swait.ge [sflag:s12], $0x2800  }
0x30: {  	[sflag:s12] =	ssyncset.done $0x0  }
0x31: {  	s17 =	sadd.s32 $0x4000, s17;
	[sflag:s12] =	ssyncadd.s32 $0xFFFFD800  }
0x32: {  	[spmem:s2] =	stream.indirect.scatter.add.f32 [tilespmem:s15], [sflag:$0x1], $0x80, s17, s14, $0xb8;
	[tilespmem:$0x1E800] =	vst v63  }
0x33: {  	_ =	swait.ge [sflag:s12], $0x2800  }
0x34: {  	s16 =	sadd.s32 $0x1, s16;
	[sflag:s12] =	ssyncset.done $0x0  }
0x35: {  	p0 =	sne.s32 s16, s10;
	[sflag:s12] =	ssyncadd.s32 $0xFFFFD800  }
.Ltmp1:
0x36: {  	[bflag:$0x0] =	sbarrier.arrive $0xFFFF;
	(pc) =	sbr.rel @p0 .LBB2_1-.Ltmp1, $4  }
0x37: {  	[hbm:s9], [sflag:s6] =	dma.local [spmem:s11], $0x2800  }
0x38: {  	_ =	swait.ge [sflag:s12], $0x2800  }
0x39: {  	[sflag:s12] =	ssyncset.done $0x0  }
0x3a: {  	[sflag:s12] =	ssyncadd.s32 $0xFFFFD800  }
0x3b: {  	_ =	sfence.sel $0x180000  }
0x3c: {  	[bflag:$0x0] =	sbarrier.arrive $0xFFFF  }
0x3d: {  	p0 =	sne.s32 s3, $0x0;
	_ =	strace $0x9000004D  }
0x3e: {  	s0 =	sadd.s32 @!p0 $0x100000, s0;
	[bflag:$0x2] =	sbarrier.arrive $0xFFFF  }
0x3f: {  	[sflag:s0] =	ssyncadd.tile.s32 @!p0 $0x1;
	_ =	shalt  }
.Lfunc_end2:
_tile_overlayer_lowered:
.L_overlay_start_2:
0x40: {  	(tag) =	ssettag $0x2  }
0x41: {  	s0 =	rddreg [dreg:$0x0];
	s2 =	stileid.u32  }
0x42: {  	s1 =	rddreg [dreg:$0x1];
	p0 =	sne.s32 s2, $0x0  }
0x43: {  	s3 =	rddreg [dreg:$0x2];
	[bflag:$0x3] =	sbarrier.arrive $0xFFFF;
	s2 =	simm.s32 @!p0 $0x1C01  }
0x44: {  	[timem:s3], [sflag:s2] =	dma.local @!p0 [hbm:s0], s1  }
0x45: {  	s0 =	simm.s32 @!p0 $0x1  }
0x46: {  	_ =	swait.ge @!p0 [sflag:s0], s1  }
0x47: {  	s1 =	ssub.s32 @!p0 $0x0, s1;
	[sflag:s0] =	ssyncset.done @!p0 $0x0  }
0x48: {  	[sflag:s0] =	ssyncadd.s32 @!p0 s1  }
0x49: {  	[bflag:$0x3] =	sbarrier.arrive $0xFFFF  }
0x4a: {  	_ =	shalt  }

// kernel: kernel.19.cloned.1.call-start
scs
__scs_entry_jumppad:
0x0: {  	(pc) =	sbr.rel $0x88, $3  }
0x1: {  	(tag) =	ssettag $0x0;
	lr =	simm.s32 $0x1  }
0x2: {  	[smem:$0x3F93] =	sst lr;
	_ =	strace $0xD0000000  }
0x3: {  	_ = 	snop  }
0x4: {  	_ = 	snop  }
0x5: {  	_ = 	snop  }
0x6: {  	_ = 	snop  }
0x7: {  	_ = 	snop  }
__scs_overlays_trampoline_lowered:
0x8: {  	[smem:$0x3FA2] =	sst s0  }
0x9: {  	[smem:$0x3FA3] =	sst s1  }
0xa: {  	[smem:$0x3FA4] =	sst s2  }
0xb: {  	[smem:$0x3FA5] =	sst s3  }
0xc: {  	[smem:$0x3FA6] =	sst s4  }
0xd: {  	[smem:$0x3FA7] =	sst s5  }
0xe: {  	[smem:$0x3FA8] =	sst s6  }
0xf: {  	[smem:$0x3FA9] =	sst s7  }
0x10: {  	[smem:$0x3FAA] =	sst s8  }
0x11: {  	[smem:$0x3FAB] =	sst s9;
	s0 =	simm.s32 @!p0 $0x0  }
0x12: {  	s1 =	sld [smem:$0x3F91];
	s0 =	simm.s32 @p0 $0x1  }
0x13: {  	[smem:$0x3FAC] =	sst s0;
	s0 =	simm.s32 @!p1 $0x0  }
0x14: {  	s2 =	sld [smem:$0x3F90];
	s0 =	simm.s32 @p1 $0x1  }
0x15: {  	[smem:$0x3FAD] =	sst s0;
	s0 =	simm.s32 @!p2 $0x0  }
0x16: {  	s3 =	sld [smem:$0x3FDB];
	s0 =	simm.s32 @p2 $0x1  }
0x17: {  	s4 =	simm.s32 $0x1BF5;
	[smem:$0x3FAF] =	sst s0  }
0x18: {  	s0 =	sld [smem:$0x3F92];
	_ =	swait.ge [sflag:s4], $0x0  }
0x19: {  	s7 =	sld [smem:$0x3F93]  }
0x1a: {  	s8 =	sadd.s32 $0xFFFFE003, lr  }
0x1b: {  	s9 =	sadd.s32 $0xFFFFFEF7, lr;
	s5 =	simm.s32 $0xFFFFFFFF;
	p2 =	slt.u32 s8, $0xFFFFF086  }
0x1c: {  	p1 =	slt.u32 s9, $0xF7A;
	s5 =	simm.s32 @!p2 $0x0  }
0x1d: {  	s5 =	simm.s32 @p1 $0x1;
	p0 =	seq.s32 s7, s2  }
0x1e: {  	s7 =	smul.u32 @!p0 $0xF7A, s2;
	p2 =	seq.s32 @!p0 s5, $0x0  }
0x1f: {  	s9 =	smul.u32 $0xF7A, s1;
	s8 =	simm.s32 @!p0 $0x1BF5;
	p2 =	por !p2, p0  }
0x20: {  	[sflag:s8] =	ssyncset.s32 @!p0 $0xFFFFF086;
	s6 =	sadd.s32 @!p0 s3, s7;
	s7 =	simm.s32 @!p0 $0x108  }
0x21: {  	s3 =	sadd.s32 s3, s9;
	s6 =	sadd.s32 @!p0 $0x88, s6;
	s7 =	simm.s32 @p2 $0x1082  }
0x22: {  	[simem:s7], [sflag:s8] =	dma.local @!p0 [hbm:s6], $0xF7A  }
0x23: {  	s9 =	sor.u32 $0xD0000000, s2;
	s6 =	simm.s32 $0x108;
	_ =	swait.ge @!p0 [sflag:s8], $0x0  }
0x24: {  	s3 =	sadd.s32 $0x88, s3;
	s6 =	simm.s32 @!p1 $0x1082;
	[sflag:s4] =	ssyncset.s32 $0xFFFFF086  }
0x25: {  	[simem:s6], [sflag:s4] =	dma.local [hbm:s3], $0xF7A  }
0x26: {  	[smem:$0x3F93] =	sst s1;
	(tag) =	ssettag s2;
	_ =	strace s9  }
0x27: {  	s1 =	sld [smem:$0x3FA3]  }
0x28: {  	s2 =	sld [smem:$0x3FA4]  }
0x29: {  	s4 =	sld [smem:$0x3FA6]  }
0x2a: {  	p0 =	seq.s32 s5, $0x0;
	s5 =	sld [smem:$0x3FA7]  }
0x2b: {  	s6 =	sld [smem:$0x3FA8]  }
0x2c: {  	s7 =	sld [smem:$0x3FA9]  }
0x2d: {  	s3 =	simm.s32 $0x108;
	s8 =	sld [smem:$0x3FAA]  }
0x2e: {  	s3 =	simm.s32 @!p0 $0x1082;
	s9 =	sld [smem:$0x3FAB]  }
0x2f: {  	lr =	sadd.s32 s0, s3;
	s0 =	sld [smem:$0x3FA2]  }
0x30: {  	s3 =	sld [smem:$0x3FA5]  }
0x31: {  	[smem:$0x3FAE] =	sst s10  }
0x32: {  	s10 =	sld [smem:$0x3FAC];
	_ =	sdelay $0x3  }
0x33: {  	p0 =	seq.s32 s10, $0x1;
	s10 =	sld [smem:$0x3FAE];
	_ =	sdelay $0x3  }
0x34: {  	[smem:$0x3FAE] =	sst s10  }
0x35: {  	s10 =	sld [smem:$0x3FAD];
	_ =	sdelay $0x3  }
0x36: {  	p1 =	seq.s32 s10, $0x1;
	s10 =	sld [smem:$0x3FAE];
	_ =	sdelay $0x3  }
0x37: {  	[smem:$0x3FAE] =	sst s10  }
0x38: {  	s10 =	sld [smem:$0x3FAF]  }
0x39: {  	_ = 	snop;
	(pc) =	sbr.ind lr, $3  }
0x3a: {  	_ = 	snop  }
0x3b: {  	_ = 	snop  }
0x3c: {  	p2 =	seq.s32 s10, $0x1;
	s10 =	sld [smem:$0x3FAE]  }
0x3d: {  	_ =	shalt  }
0x3e: {  	_ =	shalt  }
0x3f: {  	_ =	shalt  }
0x40: {  	_ =	shalt  }
0x41: {  	_ =	shalt  }
0x42: {  	_ =	shalt  }
0x43: {  	_ =	shalt  }
0x44: {  	_ =	shalt  }
0x45: {  	_ =	shalt  }
0x46: {  	_ =	shalt  }
0x47: {  	_ =	shalt  }
0x48: {  	_ =	shalt  }
0x49: {  	_ =	shalt  }
0x4a: {  	_ =	shalt  }
0x4b: {  	_ =	shalt  }
0x4c: {  	_ =	shalt  }
0x4d: {  	_ =	shalt  }
0x4e: {  	_ =	shalt  }
0x4f: {  	_ =	shalt  }
0x50: {  	_ =	shalt  }
0x51: {  	_ =	shalt  }
0x52: {  	_ =	shalt  }
0x53: {  	_ =	shalt  }
0x54: {  	_ =	shalt  }
0x55: {  	_ =	shalt  }
0x56: {  	_ =	shalt  }
0x57: {  	_ =	shalt  }
0x58: {  	_ =	shalt  }
0x59: {  	_ =	shalt  }
0x5a: {  	_ =	shalt  }
0x5b: {  	_ =	shalt  }
0x5c: {  	_ =	shalt  }
0x5d: {  	_ =	shalt  }
0x5e: {  	_ =	shalt  }
0x5f: {  	_ =	shalt  }
0x60: {  	_ =	shalt  }
0x61: {  	_ =	shalt  }
0x62: {  	_ =	shalt  }
0x63: {  	_ =	shalt  }
0x64: {  	_ =	shalt  }
0x65: {  	_ =	shalt  }
0x66: {  	_ =	shalt  }
0x67: {  	_ =	shalt  }
0x68: {  	_ =	shalt  }
0x69: {  	_ =	shalt  }
0x6a: {  	_ =	shalt  }
0x6b: {  	_ =	shalt  }
0x6c: {  	_ =	shalt  }
0x6d: {  	_ =	shalt  }
0x6e: {  	_ =	shalt  }
0x6f: {  	_ =	shalt  }
0x70: {  	_ =	shalt  }
0x71: {  	_ =	shalt  }
0x72: {  	_ =	shalt  }
0x73: {  	_ =	shalt  }
0x74: {  	_ =	shalt  }
0x75: {  	_ =	shalt  }
0x76: {  	_ =	shalt  }
0x77: {  	_ =	shalt  }
0x78: {  	_ =	shalt  }
0x79: {  	_ =	shalt  }
0x7a: {  	_ =	shalt  }
0x7b: {  	_ =	shalt  }
0x7c: {  	_ =	shalt  }
0x7d: {  	_ =	shalt  }
0x7e: {  	_ =	shalt  }
0x7f: {  	_ =	shalt  }
0x80: {  	_ =	shalt  }
0x81: {  	_ =	shalt  }
0x82: {  	_ =	shalt  }
0x83: {  	_ =	shalt  }
0x84: {  	_ =	shalt  }
0x85: {  	_ =	shalt  }
0x86: {  	_ =	shalt  }
0x87: {  	_ =	shalt  }
.Lfunc_end0:
.L_simem_size_0:
called_computation.3_lowered:
.L_overlay_start_0:
0x88: {  	s2 =	sld [smem:$0x3FD9]  }
0x89: {  	s3 =	sld [smem:$0x3FFE];
	_ =	sdelay $0x1  }
0x8a: {  	s1 =	srdreg.scid  }
0x8b: {  	s0 =	sand.u32 $0x1, s1  }
0x8c: {  	s17 =	sshll.u32 s0, $0xA;
	s2 =	sadd.s32 s3, s2  }
0x8d: {  	s2 =	sadd.s32 s2, s17  }
0x8e: {  	[smem:$0x3FBA] =	sst s2  }
0x8f: {  	_ = 	snop  }
0x90: {  	s2 =	sld [smem:$0x3FD0];
	(tm) =	ssettm $0x1  }
0x91: {  	s18 =	sld [smem:$0x3FFB];
	_ =	sdelay $0x3  }
0x92: {  	_ =	strace s18  }
0x93: {  	s3 =	sld [smem:$0x3FFC];
	_ =	sdelay $0x3  }
0x94: {  	_ =	strace s3  }
0x95: {  	s3 =	sld [smem:$0x3FFD];
	_ =	sdelay $0x3  }
0x96: {  	_ =	strace s3  }
0x97: {  	_ =	strace $0x8FFFFFFF  }
0x98: {  	s19 =	sld [smem:$0x3FDB];
	_ =	sdelay $0x1  }
0x99: {  	s4 =	simm.s32 $_scs_section_size  }
0x9a: {  	s5 =	simm.s32 $_size__tile_overlayer_lowered;
	s6 =	simm.s32 $_tile_overlayer_lowered  }
0x9b: {  	s22 =	simm.s32 $0x1BFF;
	s21 =	sshll.u32 s6, $0x1;
	s3 =	sadd.s32 s4, s19  }
0x9c: {  	s7 =	simm.s32 $0x0;
	s20 =	sshll.u32 s5, $0x1;
	s5 =	sadd.s32 s21, s3  }
0x9d: {  	[timem:s7], [sflag:s22] =	dma.local [hbm:s5], s20  }
0x9e: {  	_ =	swait.ge [sflag:s22], s20  }
0x9f: {  	s4 =	ssub.s32 $0x0, s20;
	[sflag:s22] =	ssyncset.done $0x0  }
0xa0: {  	[sflag:s22] =	ssyncadd.s32 s4;
	_ =	sdelay $0x1  }
0xa1: {  	s23 =	simm.s32 $0x1B8B  }
0xa2: {  	_ =	swait.ge [sflag:s23], $0x1  }
0xa3: {  	[sflag:s23] =	ssyncset.done $0x0  }
0xa4: {  	s25 =	simm.s32 $0x1B8E;
	s24 =	sld [smem:$0x3FFE];
	[sflag:s23] =	ssyncadd.s32 $0xFFFFFFFF  }
0xa5: {  	s26 =	simm.s32 $execute0_lowered;
	[smem:$0x3FD2] =	sst s25  }
0xa6: {  	s5 =	sshll.u32 s26, $0x1;
	_ =	strace $0x8000004F;
	[dreg:$0x1] =	wrdreg $0xFFFFFFFF  }
0xa7: {  	s28 =	simm.s32 $_size_execute0_lowered;
	s3 =	sadd.s32 s3, s5;
	[dreg:$0x0] =	wrdreg $0x0  }
0xa8: {  	s5 =	sshll.u32 s28, $0x1;
	[dreg:$0x2] =	wrdreg s3  }
0xa9: {  	[dreg:$0x3] =	wrdreg s5  }
0xaa: {  	[dreg:$0x4] =	wrdreg $0xC0  }
0xab: {  	_ =	task [dreg:s7], $0x5FFFF  }
0xac: {  	[dreg:$0x1] =	wrdreg $0xFFFFFFFF  }
0xad: {  	[dreg:$0x0] =	wrdreg $0x60  }
0xae: {  	[dreg:$0x2] =	wrdreg s2  }
0xaf: {  	[dreg:$0x3] =	wrdreg s24  }
0xb0: {  	[dreg:$0x4] =	wrdreg $0xA8000  }
0xb1: {  	[dreg:$0x5] =	wrdreg $0x9  }
0xb2: {  	_ =	task.clear_ibuf [dreg:s7], $0x6FFFF;
	_ =	strace $0x9000004F  }
0xb3: {  	s29 =	simm.s32 $0x9;
	_ =	strace $0x80000051  }
0xb4: {  	_ =	swait.ge [sflag:s29], $0x1  }
0xb5: {  	[sflag:s29] =	ssyncadd.s32 $0xFFFFFFFF  }
0xb6: {  	_ =	strace $0x90000051  }
0xb7: {  	_ =	sfence  }
0xb8: {  	s30 =	sld [smem:$0x0];
	_ =	sdelay $0x2  }
0xb9: {  	s31 =	sshll.u32 s1, $0xD;
	s1 =	sshrl.u32 s1, $0x2  }
0xba: {  	s3 =	sand.u32 $0x4000, s31;
	s1 =	sadd.s32 s1, s30  }
0xbb: {  	s0 =	sor.u32 s3, s0;
	s1 =	sshll.u32 s1, $0x11  }
0xbc: {  	s0 =	sor.u32 s1, s0  }
0xbd: {  	s0 =	sadd.s32 $0x8F2B, s0  }
0xbe: {  	[sflag:s0] =	ssyncadd.remote.s32 $0x1  }
0xbf: {  	_ =	sfence.sel $0xFFFF  }
0xc0: {  	[dreg:$0x0] =	wrdreg $0xFFFFFFFF;
	(pc) =	sbr.abs _section_cstart, $3  }
0xc1: {  	[dreg:$0x1] =	wrdreg $0xFFFFFFFF  }
0xc2: {  	_ =	task.clear_ibuf [dreg:s7], $0x2FFFF;
	_ =	strace $0x9FFFFFFF  }
0xc3: {  	(tm) =	ssettm $0x7FFFFFFF  }
tec
execute0_lowered:
.L_overlay_start_1:
0x0: {  	(tag) =	ssettag $0x1  }
0x1: {  	s1 =	rddreg [dreg:$0x0]  }
0x2: {  	s6 =	rddreg [dreg:$0x1]  }
0x3: {  	s2 =	rddreg [dreg:$0x2]  }
0x4: {  	s3 =	srdreg.scid;
	s0 =	rddreg [dreg:$0x3]  }
0x5: {  	s4 =	simm.s32 $0x0;
	s14 =	simm.s32 $0x50;
	s15 =	simm.s32 $0x8000  }
0x6: {  	s16 =	simm.s32 $0x0;
	s5 =	sand.u32 $0x1, s3;
	s3 =	stileid.u32  }
0x7: {  	[smem:$0x7FF] =	sst s4;
	s7 =	smul.u32 $0x140000, s5;
	s8 =	sshll.u32 s3, $0xC  }
0x8: {  	s9 =	sshll.u32 s5, $0xB;
	s10 =	smul.u32 $0x14000, s3;
	_ =	strace $0x80000050  }
0x9: {  	s26 =	ssub.s32 $0x2, s5;
	s28 =	smul.u32 $0x50000, s3;
	s5 =	sadd.s32 $0x24800, s6  }
0xa: {  	s31 =	sshll.u32 s3, $0x6;
	s8 =	sor.u32 s9, s8;
	s29 =	sshrl.u32 s26, $0x1  }
0xb: {  	s8 =	sadd.s32 s8, s6;
	s7 =	sadd.s32 s10, s7;
	s30 =	sshrl.u32 s28, $0x2  }
0xc: {  	s12 =	ssub.s32 s26, s29;
	s7 =	sshrl.u32 s7, $0x3;
	s13 =	sadd.s32 s30, s2  }
0xd: {  	s10 =	smax.u32 s12, $0x1;
	s12 =	simm.s32 $0x1;
	s11 =	sadd.s32 s7, s6  }
0xe: {  	s6 =	sor.u32 $0x1C01, s31;
	s7 =	sadd.s32 $0x4800, s8;
	s8 =	sadd.s32 $0x14800, s8  }
0xf: {  	s9 =	sadd.s32 $0x4E200, s11;
	s11 =	sshrl.u32 s13, $0x3;
	s13 =	simm.s32 $0x4000  }
.LBB2_1:
0x10: {  	[spmem:s11], [sflag:s6] =	dma.local [hbm:s5], $0x2800  }
0x11: {  	_ =	swait.ge [sflag:s12], $0x2800  }
0x12: {  	[sflag:s12] =	ssyncset.done $0x0  }
0x13: {  	[sflag:s12] =	ssyncadd.s32 $0xFFFFD800  }
0x14: {  	[tilespmem:s4], [sflag:$0x1] =	stream.linear.gather [hbm4b:s7+s4], $0x3E80, $0x38;
	[tilespmem:$0x1E800] =	vst v63  }
0x15: {  	_ =	swait.ge [sflag:s12], $0x3E80  }
0x16: {  	[sflag:s12] =	ssyncset.done $0x0  }
0x17: {  	[sflag:s12] =	ssyncadd.s32 $0xFFFFC180  }
0x18: {  	[tilespmem:s13], [sflag:$0x1] =	stream.linear.gather [hbm4b:s8+s4], $0x3E80, $0x38;
	[tilespmem:$0x1E800] =	vst v63  }
0x19: {  	_ =	swait.ge [sflag:s12], $0x3E80  }
0x1a: {  	[sflag:s12] =	ssyncset.done $0x0  }
0x1b: {  	[sflag:s12] =	ssyncadd.s32 $0xFFFFC180  }
0x1c: {  	s17 =	simm.s32 $0x0;
	[bflag:$0x0] =	sbarrier.arrive $0xFFFF  }
0x1d: {  	[tilespmem:s15], [sflag:$0x1] =	stream.indirect.gather [hbm4b:s1+s14], $0x80, s17, s14, $0xb8;
	[tilespmem:$0x1E800] =	vst v63  }
0x1e: {  	_ =	swait.ge [sflag:s12], $0x2800  }
0x1f: {  	[sflag:s12] =	ssyncset.done $0x0  }
0x20: {  	s31 =	simm.s32 $0x4000;
	[sflag:s12] =	ssyncadd.s32 $0xFFFFD800  }
0x21: {  	[spmem:s2] =	stream.indirect.scatter.add.f32 [tilespmem:s15], [sflag:$0x1], $0x80, s31, s14, $0xb8;
	[tilespmem:$0x1E800] =	vst v63  }
0x22: {  	_ =	swait.ge [sflag:s12], $0x2800  }
0x23: {  	s18 =	simm.s32 $0x400;
	s17 =	simm.s32 $0x200;
	[sflag:s12] =	ssyncset.done $0x0  }
.LBB2_2:
0x24: {  	s19 =	sshra.s32 s17, $0x2  }
0x25: {  	[sflag:s12] =	ssyncadd.s32 $0xFFFFD800;
	s17 =	smov.u32 s18;
	s20 =	sadd.s32 $0x200, s18  }
0x26: {  	[tilespmem:s15], [sflag:$0x1] =	stream.indirect.gather [hbm4b:s1+s14], $0x80, s19, s14, $0xb8;
	[tilespmem:$0x1E800] =	vst v63  }
0x27: {  	p0 =	sne.s32 s18, $0xF800;
	_ =	swait.ge [sflag:s12], $0x2800  }
.Ltmp0:
0x28: {  	[sflag:s12] =	ssyncset.done $0x0;
	(pc) =	sbr.rel @p0 .LBB2_2-.Ltmp0, $4  }
0x29: {  	s18 =	sadd.s32 $0x4000, s19;
	[sflag:s12] =	ssyncadd.s32 $0xFFFFD800  }
0x2a: {  	[spmem:s2] =	stream.indirect.scatter.add.f32 [tilespmem:s15], [sflag:$0x1], $0x80, s18, s14, $0xb8;
	[tilespmem:$0x1E800] =	vst v63  }
0x2b: {  	_ =	swait.ge [sflag:s12], $0x2800  }
0x2c: {  	s18 =	smov.u32 s20;
	[sflag:s12] =	ssyncset.done $0x0  }
0x2d: {  	s17 =	sshra.s32 s17, $0x2;
	[sflag:s12] =	ssyncadd.s32 $0xFFFFD800  }
0x2e: {  	[tilespmem:s15], [sflag:$0x1] =	stream.indirect.gather [hbm4b:s1+s14], $0x80, s17, s14, $0xb8;
	[tilespmem:$0x1E800] =	vst v63  }
0x2f: {  	_ =	swait.ge [sflag:s12], $0x2800  }
0x30: {  	[sflag:s12] =	ssyncset.done $0x0  }
0x31: {  	s17 =	sadd.s32 $0x4000, s17;
	[sflag:s12] =	ssyncadd.s32 $0xFFFFD800  }
0x32: {  	[spmem:s2] =	stream.indirect.scatter.add.f32 [tilespmem:s15], [sflag:$0x1], $0x80, s17, s14, $0xb8;
	[tilespmem:$0x1E800] =	vst v63  }
0x33: {  	_ =	swait.ge [sflag:s12], $0x2800  }
0x34: {  	s16 =	sadd.s32 $0x1, s16;
	[sflag:s12] =	ssyncset.done $0x0  }
0x35: {  	p0 =	sne.s32 s16, s10;
	[sflag:s12] =	ssyncadd.s32 $0xFFFFD800  }
.Ltmp1:
0x36: {  	[bflag:$0x0] =	sbarrier.arrive $0xFFFF;
	(pc) =	sbr.rel @p0 .LBB2_1-.Ltmp1, $4  }
0x37: {  	[hbm:s9], [sflag:s6] =	dma.local [spmem:s11], $0x2800  }
0x38: {  	_ =	swait.ge [sflag:s12], $0x2800  }
0x39: {  	[sflag:s12] =	ssyncset.done $0x0  }
0x3a: {  	[sflag:s12] =	ssyncadd.s32 $0xFFFFD800  }
0x3b: {  	_ =	sfence.sel $0x180000  }
0x3c: {  	[bflag:$0x0] =	sbarrier.arrive $0xFFFF  }
0x3d: {  	p0 =	sne.s32 s3, $0x0;
	_ =	strace $0x90000050  }
0x3e: {  	s0 =	sadd.s32 @!p0 $0x100000, s0;
	[bflag:$0x2] =	sbarrier.arrive $0xFFFF  }
0x3f: {  	[sflag:s0] =	ssyncadd.tile.s32 @!p0 $0x1;
	_ =	shalt  }
.Lfunc_end2:
_tile_overlayer_lowered:
.L_overlay_start_2:
0x40: {  	(tag) =	ssettag $0x2  }
0x41: {  	s0 =	rddreg [dreg:$0x0];
	s2 =	stileid.u32  }
0x42: {  	s1 =	rddreg [dreg:$0x1];
	p0 =	sne.s32 s2, $0x0  }
0x43: {  	s3 =	rddreg [dreg:$0x2];
	[bflag:$0x3] =	sbarrier.arrive $0xFFFF;
	s2 =	simm.s32 @!p0 $0x1C01  }
0x44: {  	[timem:s3], [sflag:s2] =	dma.local @!p0 [hbm:s0], s1  }
0x45: {  	s0 =	simm.s32 @!p0 $0x1  }
0x46: {  	_ =	swait.ge @!p0 [sflag:s0], s1  }
0x47: {  	s1 =	ssub.s32 @!p0 $0x0, s1;
	[sflag:s0] =	ssyncset.done @!p0 $0x0  }
0x48: {  	[sflag:s0] =	ssyncadd.s32 @!p0 s1  }
0x49: {  	[bflag:$0x3] =	sbarrier.arrive $0xFFFF  }
0x4a: {  	_ =	shalt  }

</sc_bundles>
